<compile_context>
chip_gen: v7x
topology: tpu7x:2x2x1
jax: 0.10.2.dev20260603
libtpu: 0.0.44.dev20260713+nightly
codegen_flags: <defaults>
</compile_context>

<pallas_src>
import functools

import jax
import jax.numpy as jnp
from jax import lax
from jax.experimental import pallas as pl
from jax.experimental.pallas import tpu as pltpu
from jax.experimental.pallas import tpu_sc as plsc

NC = 2
NS = 16
NW = NC * NS
LANES = 16

CHUNK = 80


def _sc_segment_sum(x, src, dst, n, d, e):
    epw = e // NW
    n_chunks = epw // CHUNK
    n_pad = ((n + NS * 8 - 1) // (NS * 8)) * (NS * 8)
    rpt = n_pad // NS

    mesh = plsc.VectorSubcoreMesh(core_axis_name="c", subcore_axis_name="s")

    @functools.partial(
        pl.kernel,
        out_type=jax.ShapeDtypeStruct((NC, n_pad, d), jnp.float32),
        mesh=mesh,
        scratch_types=[
            pltpu.VMEM_SHARED((n_pad, d), jnp.float32),
            pltpu.VMEM((4, CHUNK), jnp.int32),
            pltpu.VMEM((4, CHUNK), jnp.int32),
            pltpu.VMEM((4, CHUNK, d), jnp.float32),
            pltpu.SemaphoreType.DMA((4,)),
            pltpu.SemaphoreType.DMA((4,)),
            pltpu.SemaphoreType.DMA((4,)),
        ],
    )
    def seg_sum(x_hbm, src_hbm, dst_hbm, out_hbm, acc, srcg, dstg, rows,
                gsem, ssem, isem):
        cid = lax.axis_index("c")
        sid = lax.axis_index("s")
        wid = sid * NC + cid
        base_w = pl.multiple_of(wid * epw, 8)

        def src_slice(i):
            return src_hbm.at[pl.ds(pl.multiple_of(base_w + i * CHUNK, 8), CHUNK)]

        def dst_slice(i):
            return dst_hbm.at[pl.ds(pl.multiple_of(base_w + i * CHUNK, 8), CHUNK)]

        def issue_idx_loads(j, jb):
            pltpu.async_copy(src_slice(j), srcg.at[jb], isem.at[jb])
            pltpu.async_copy(dst_slice(j), dstg.at[jb], isem.at[jb])

        for k in range(min(3, n_chunks)):
            issue_idx_loads(k, k)

        zeros = jnp.zeros((LANES,), jnp.float32)

        def zero_row(i, carry):
            for j in range(d // LANES):
                rows[0, i, pl.ds(j * LANES, LANES)] = zeros
            return carry

        lax.fori_loop(0, CHUNK, zero_row, 0)
        done = 0
        while done < rpt:
            step = min(CHUNK, rpt - done)
            pltpu.sync_copy(
                rows.at[0, pl.ds(0, step)], acc.at[pl.ds(sid * rpt + done, step)]
            )
            done += step
        plsc.subcore_barrier()

        def wait_idx_loads(j, jb):
            pltpu.make_async_copy(src_slice(j), srcg.at[jb], isem.at[jb]).wait()
            pltpu.make_async_copy(dst_slice(j), dstg.at[jb], isem.at[jb]).wait()

        def issue_gather(j, jb):
            pltpu.async_copy(x_hbm.at[srcg.at[jb]], rows.at[jb], gsem.at[jb])

        for k in range(min(2, n_chunks)):
            wait_idx_loads(k, k)
            issue_gather(k, k)

        def chunk_body(i, carry):
            b = lax.rem(i, 4)
            pltpu.make_async_copy(x_hbm.at[srcg.at[b]], rows.at[b], gsem.at[b]).wait()
            pltpu.async_copy(rows.at[b], acc.at[dstg.at[b]], ssem.at[b], add=True)

            @pl.when(i + 3 < n_chunks)
            def _():
                pb = lax.rem(i + 3, 4)

                @pl.when(i >= 1)
                def _():
                    pltpu.make_async_copy(
                        rows.at[pb], acc.at[dstg.at[pb]], ssem.at[pb]
                    ).wait()

                issue_idx_loads(i + 3, pb)

            @pl.when(i + 2 < n_chunks)
            def _():
                gb = lax.rem(i + 2, 4)
                wait_idx_loads(i + 2, gb)
                issue_gather(i + 2, gb)

            return carry

        lax.fori_loop(0, n_chunks, chunk_body, 0)
        for k in range(max(0, n_chunks - 4), n_chunks):
            b = k % 4
            pltpu.make_async_copy(rows.at[b], acc.at[dstg.at[b]], ssem.at[b]).wait()
        plsc.subcore_barrier()

        pltpu.sync_copy(
            acc.at[pl.ds(sid * rpt, rpt)], out_hbm.at[cid, pl.ds(sid * rpt, rpt)]
        )

    return seg_sum(
        x,
        src,
        dst,
    )


def _tc_mlp(x, partials, w1, b1, w2, b2, n, d):
    blk = 1000

    def mlp_body(x_ref, p_ref, w1_ref, b1_ref, w2_ref, b2_ref, o_ref):
        h = x_ref[...] + p_ref[0] + p_ref[1]
        h = jnp.dot(h, w1_ref[...], preferred_element_type=jnp.float32)
        h = jnp.maximum(h + b1_ref[...], 0.0)
        h = jnp.dot(h, w2_ref[...], preferred_element_type=jnp.float32)
        o_ref[...] = jnp.maximum(h + b2_ref[...], 0.0)

    return pl.pallas_call(
        mlp_body,
        grid=(n // blk,),
        in_specs=[
            pl.BlockSpec((blk, d), lambda i: (i, 0)),
            pl.BlockSpec((NC, blk, d), lambda i: (0, i, 0)),
            pl.BlockSpec((d, d), lambda i: (0, 0)),
            pl.BlockSpec((1, d), lambda i: (0, 0)),
            pl.BlockSpec((d, d), lambda i: (0, 0)),
            pl.BlockSpec((1, d), lambda i: (0, 0)),
        ],
        out_specs=pl.BlockSpec((blk, d), lambda i: (i, 0)),
        out_shape=jax.ShapeDtypeStruct((n, d), jnp.float32),
    )(x, partials, w1, b1.reshape(1, d), w2, b2.reshape(1, d))


def kernel(x, pos, edge_index, W1, b1, W2, b2):
    n, d = x.shape
    e = edge_index.shape[1]
    src = edge_index[0]
    dst = edge_index[1]
    partials = _sc_segment_sum(x, src, dst, n, d, e)
    return _tc_mlp(x, partials, W1, b1, W2, b2, n, d)

# --- scband reference (transcript-rebuilt; emitter-appended) ---
"""Pipeline reference for scband-cluster-encoder-33758442947290 (READ-ONLY COPY).

The authoritative reference and input builder live on the scoring server;
editing this copy changes nothing except your own understanding.
"""

import jax, jax.numpy as jnp
import numpy as np

N = 10000
E = 320000
D = 128


def setup_inputs(seed: int = 0) -> dict:
    key = jax.random.key(seed)
    k1, k2, k3, k4, k5 = jax.random.split(key, 5)
    x = jax.random.normal(k1, (N, D), dtype=jnp.float32)
    pos = jax.random.normal(k2, (N, 2), dtype=jnp.float32)
    edge_index = jax.random.randint(k3, (2, E), 0, N, dtype=jnp.int32)
    # MLP([128,128,128]) -> two Linear layers, Kaiming-uniform-ish init
    s = 1.0 / np.sqrt(D)
    W1 = jax.random.uniform(k4, (D, D), minval=-s, maxval=s, dtype=jnp.float32)
    b1 = jnp.zeros((D,), dtype=jnp.float32)
    W2 = jax.random.uniform(k5, (D, D), minval=-s, maxval=s, dtype=jnp.float32)
    b2 = jnp.zeros((D,), dtype=jnp.float32)
    return {"x": x, "pos": pos, "edge_index": edge_index,
            "W1": W1, "b1": b1, "W2": W2, "b2": b2}


def reference(x, pos, edge_index, W1, b1, W2, b2):
    # ClusterEncoder(conv_type='gin'): HeteroConv over a single edge type
    # ('clusters','near','clusters') wrapping GINConv(MLP([128,128,128])).
    # GINConv: h_i = MLP((1 + eps) * x_i + sum_{j in N(i)} x_j), eps = 0.
    # HeteroConv aggr='max' over a single edge type is identity.
    # MLP(plain_last=False): Linear -> BatchNorm(eval: identity at init running
    # stats) -> ReLU -> Dropout(eval: identity), applied to both layers.
    src = edge_index[0]
    dst = edge_index[1]
    msgs = jnp.take(x, src, axis=0)                      # gather (SparseCore)
    aggr = jax.ops.segment_sum(msgs, dst, num_segments=x.shape[0])  # scatter-add
    eps = 0.0
    h = (1.0 + eps) * x + aggr
    h = jax.nn.relu(h @ W1 + b1)
    h = jax.nn.relu(h @ W2 + b2)
    return h

if __name__ == "__main__":
    import jax
    _d = setup_inputs()
    print(jax.jit(kernel)(*tuple(_d.values())))

</pallas_src>

<mosaic_0001>
#map = affine_map<(d0, d1) -> (0, 0)>
#map1 = affine_map<(d0, d1) -> (0)>
#map2 = affine_map<(d0, d1) -> (0, 0, 0)>
module attributes {stable_mosaic.version = 14 : i64} {
  func.func @seg_sum(%arg0: i32, %arg1: i32, %arg2: memref<10000x128xf32, #tpu.memory_space<hbm>>, %arg3: memref<320000xi32, #tpu.memory_space<hbm>>, %arg4: memref<320000xi32, #tpu.memory_space<hbm>>, %arg5: memref<2x10112x128xf32, #tpu.memory_space<hbm>>, %arg6: memref<10112x128xf32, #tpu.memory_space<vmem_shared>>, %arg7: memref<4x80xi32, #tpu.memory_space<vmem>>, %arg8: memref<4x80xi32, #tpu.memory_space<vmem>>, %arg9: memref<4x80x128xf32, #tpu.memory_space<vmem>>, %arg10: memref<4x!tpu.dma_semaphore, #tpu.memory_space<semaphore_mem>>, %arg11: memref<4x!tpu.dma_semaphore, #tpu.memory_space<semaphore_mem>>, %arg12: memref<4x!tpu.dma_semaphore, #tpu.memory_space<semaphore_mem>>) attributes {dimension_semantics = [#tpu.dimension_semantics<core_parallel>, #tpu.dimension_semantics<subcore_parallel>], iteration_bounds = array<i64: 2, 16>, scalar_prefetch = 0 : i64, scratch_operands = 7 : i64, tpu.core_type = #tpu.core_type<sc_vector_subcore>, window_params = [{transform_indices = #map}, {transform_indices = #map1}, {transform_indices = #map1}, {transform_indices = #map2}]} {
    %mul3A = arith.constant 2 : i32
    %mul3A_0 = arith.muli %arg1, %mul3A : i32
    %add3A = arith.addi %mul3A_0, %arg0 : i32
    %mul3A_1 = arith.constant 10000 : i32
    %mul3A_2 = arith.muli %add3A, %mul3A_1 : i32
    %multiple_of3A = tpu.assume_multiple %mul3A_2, 8 : i32
    %add3A_3 = arith.constant 0 : i32
    %add3A_4 = arith.addi %multiple_of3A, %add3A_3 : i32
    %multiple_of3A_5 = tpu.assume_multiple %add3A_4, 8 : i32
    %dma_start3A = arith.constant 0 : i32
    %dma_start3A_6 = arith.constant 0 : i32
    %dma_start3A_7 = arith.constant 0 : i32
    %dma_start3A_8 = tpu.memref_slice %arg7[%dma_start3A, %dma_start3A_7] : memref<4x80xi32, #tpu.memory_space<vmem>> -> memref<1x80xi32, #tpu.memory_space<vmem>>
    %dma_start3A_9 = tpu.memref_squeeze %dma_start3A_8 : memref<1x80xi32, #tpu.memory_space<vmem>> -> memref<80xi32, #tpu.memory_space<vmem>>
    %dma_start3A_10 = tpu.memref_slice %arg3[%multiple_of3A_5] : memref<320000xi32, #tpu.memory_space<hbm>> -> memref<80xi32, #tpu.memory_space<hbm>>
    %dma_start3A_11 = tpu.memref_slice %arg12[%dma_start3A_6] : memref<4x!tpu.dma_semaphore, #tpu.memory_space<semaphore_mem>> -> memref<1x!tpu.dma_semaphore, #tpu.memory_space<semaphore_mem>>
    %dma_start3A_12 = tpu.memref_squeeze %dma_start3A_11 : memref<1x!tpu.dma_semaphore, #tpu.memory_space<semaphore_mem>> -> memref<!tpu.dma_semaphore, #tpu.memory_space<semaphore_mem>>
    %dma_start3A_13 = arith.constant 0 : i32
    %dma_start3A_14 = tpu.memref_slice %arg7[%dma_start3A, %dma_start3A_13] : memref<4x80xi32, #tpu.memory_space<vmem>> -> memref<1x80xi32, #tpu.memory_space<vmem>>
    %dma_start3A_15 = tpu.memref_squeeze %dma_start3A_14 : memref<1x80xi32, #tpu.memory_space<vmem>> -> memref<80xi32, #tpu.memory_space<vmem>>
    %dma_start3A_16 = tpu.memref_slice %arg3[%multiple_of3A_5] : memref<320000xi32, #tpu.memory_space<hbm>> -> memref<80xi32, #tpu.memory_space<hbm>>
    tpu.enqueue_dma source(%dma_start3A_16 : memref<80xi32, #tpu.memory_space<hbm>>) target(%dma_start3A_15 : memref<80xi32, #tpu.memory_space<vmem>>) target_semaphore(%dma_start3A_12 : memref<!tpu.dma_semaphore, #tpu.memory_space<semaphore_mem>>)
    %add3A_17 = arith.constant 0 : i32
    %add3A_18 = arith.addi %multiple_of3A, %add3A_17 : i32
    %multiple_of3A_19 = tpu.assume_multiple %add3A_18, 8 : i32
    %dma_start3A_20 = arith.constant 0 : i32
    %dma_start3A_21 = arith.constant 0 : i32
    %dma_start3A_22 = arith.constant 0 : i32
    %dma_start3A_23 = tpu.memref_slice %arg8[%dma_start3A_20, %dma_start3A_22] : memref<4x80xi32, #tpu.memory_space<vmem>> -> memref<1x80xi32, #tpu.memory_space<vmem>>
    %dma_start3A_24 = tpu.memref_squeeze %dma_start3A_23 : memref<1x80xi32, #tpu.memory_space<vmem>> -> memref<80xi32, #tpu.memory_space<vmem>>
    %dma_start3A_25 = tpu.memref_slice %arg4[%multiple_of3A_19] : memref<320000xi32, #tpu.memory_space<hbm>> -> memref<80xi32, #tpu.memory_space<hbm>>
    %dma_start3A_26 = tpu.memref_slice %arg12[%dma_start3A_21] : memref<4x!tpu.dma_semaphore, #tpu.memory_space<semaphore_mem>> -> memref<1x!tpu.dma_semaphore, #tpu.memory_space<semaphore_mem>>
    %dma_start3A_27 = tpu.memref_squeeze %dma_start3A_26 : memref<1x!tpu.dma_semaphore, #tpu.memory_space<semaphore_mem>> -> memref<!tpu.dma_semaphore, #tpu.memory_space<semaphore_mem>>
    %dma_start3A_28 = arith.constant 0 : i32
    %dma_start3A_29 = tpu.memref_slice %arg8[%dma_start3A_20, %dma_start3A_28] : memref<4x80xi32, #tpu.memory_space<vmem>> -> memref<1x80xi32, #tpu.memory_space<vmem>>
    %dma_start3A_30 = tpu.memref_squeeze %dma_start3A_29 : memref<1x80xi32, #tpu.memory_space<vmem>> -> memref<80xi32, #tpu.memory_space<vmem>>
    %dma_start3A_31 = tpu.memref_slice %arg4[%multiple_of3A_19] : memref<320000xi32, #tpu.memory_space<hbm>> -> memref<80xi32, #tpu.memory_space<hbm>>
    tpu.enqueue_dma source(%dma_start3A_31 : memref<80xi32, #tpu.memory_space<hbm>>) target(%dma_start3A_30 : memref<80xi32, #tpu.memory_space<vmem>>) target_semaphore(%dma_start3A_27 : memref<!tpu.dma_semaphore, #tpu.memory_space<semaphore_mem>>)
    %add3A_32 = arith.constant 80 : i32
    %add3A_33 = arith.addi %multiple_of3A, %add3A_32 : i32
    %multiple_of3A_34 = tpu.assume_multiple %add3A_33, 8 : i32
    %dma_start3A_35 = arith.constant 1 : i32
    %dma_start3A_36 = arith.constant 1 : i32
    %dma_start3A_37 = arith.constant 0 : i32
    %dma_start3A_38 = tpu.memref_slice %arg7[%dma_start3A_35, %dma_start3A_37] : memref<4x80xi32, #tpu.memory_space<vmem>> -> memref<1x80xi32, #tpu.memory_space<vmem>>
    %dma_start3A_39 = tpu.memref_squeeze %dma_start3A_38 : memref<1x80xi32, #tpu.memory_space<vmem>> -> memref<80xi32, #tpu.memory_space<vmem>>
    %dma_start3A_40 = tpu.memref_slice %arg3[%multiple_of3A_34] : memref<320000xi32, #tpu.memory_space<hbm>> -> memref<80xi32, #tpu.memory_space<hbm>>
    %dma_start3A_41 = tpu.memref_slice %arg12[%dma_start3A_36] : memref<4x!tpu.dma_semaphore, #tpu.memory_space<semaphore_mem>> -> memref<1x!tpu.dma_semaphore, #tpu.memory_space<semaphore_mem>>
    %dma_start3A_42 = tpu.memref_squeeze %dma_start3A_41 : memref<1x!tpu.dma_semaphore, #tpu.memory_space<semaphore_mem>> -> memref<!tpu.dma_semaphore, #tpu.memory_space<semaphore_mem>>
    %dma_start3A_43 = arith.constant 0 : i32
    %dma_start3A_44 = tpu.memref_slice %arg7[%dma_start3A_35, %dma_start3A_43] : memref<4x80xi32, #tpu.memory_space<vmem>> -> memref<1x80xi32, #tpu.memory_space<vmem>>
    %dma_start3A_45 = tpu.memref_squeeze %dma_start3A_44 : memref<1x80xi32, #tpu.memory_space<vmem>> -> memref<80xi32, #tpu.memory_space<vmem>>
    %dma_start3A_46 = tpu.memref_slice %arg3[%multiple_of3A_34] : memref<320000xi32, #tpu.memory_space<hbm>> -> memref<80xi32, #tpu.memory_space<hbm>>
    tpu.enqueue_dma source(%dma_start3A_46 : memref<80xi32, #tpu.memory_space<hbm>>) target(%dma_start3A_45 : memref<80xi32, #tpu.memory_space<vmem>>) target_semaphore(%dma_start3A_42 : memref<!tpu.dma_semaphore, #tpu.memory_space<semaphore_mem>>)
    %add3A_47 = arith.constant 80 : i32
    %add3A_48 = arith.addi %multiple_of3A, %add3A_47 : i32
    %multiple_of3A_49 = tpu.assume_multiple %add3A_48, 8 : i32
    %dma_start3A_50 = arith.constant 1 : i32
    %dma_start3A_51 = arith.constant 1 : i32
    %dma_start3A_52 = arith.constant 0 : i32
    %dma_start3A_53 = tpu.memref_slice %arg8[%dma_start3A_50, %dma_start3A_52] : memref<4x80xi32, #tpu.memory_space<vmem>> -> memref<1x80xi32, #tpu.memory_space<vmem>>
    %dma_start3A_54 = tpu.memref_squeeze %dma_start3A_53 : memref<1x80xi32, #tpu.memory_space<vmem>> -> memref<80xi32, #tpu.memory_space<vmem>>
    %dma_start3A_55 = tpu.memref_slice %arg4[%multiple_of3A_49] : memref<320000xi32, #tpu.memory_space<hbm>> -> memref<80xi32, #tpu.memory_space<hbm>>
    %dma_start3A_56 = tpu.memref_slice %arg12[%dma_start3A_51] : memref<4x!tpu.dma_semaphore, #tpu.memory_space<semaphore_mem>> -> memref<1x!tpu.dma_semaphore, #tpu.memory_space<semaphore_mem>>
    %dma_start3A_57 = tpu.memref_squeeze %dma_start3A_56 : memref<1x!tpu.dma_semaphore, #tpu.memory_space<semaphore_mem>> -> memref<!tpu.dma_semaphore, #tpu.memory_space<semaphore_mem>>
    %dma_start3A_58 = arith.constant 0 : i32
    %dma_start3A_59 = tpu.memref_slice %arg8[%dma_start3A_50, %dma_start3A_58] : memref<4x80xi32, #tpu.memory_space<vmem>> -> memref<1x80xi32, #tpu.memory_space<vmem>>
    %dma_start3A_60 = tpu.memref_squeeze %dma_start3A_59 : memref<1x80xi32, #tpu.memory_space<vmem>> -> memref<80xi32, #tpu.memory_space<vmem>>
    %dma_start3A_61 = tpu.memref_slice %arg4[%multiple_of3A_49] : memref<320000xi32, #tpu.memory_space<hbm>> -> memref<80xi32, #tpu.memory_space<hbm>>
    tpu.enqueue_dma source(%dma_start3A_61 : memref<80xi32, #tpu.memory_space<hbm>>) target(%dma_start3A_60 : memref<80xi32, #tpu.memory_space<vmem>>) target_semaphore(%dma_start3A_57 : memref<!tpu.dma_semaphore, #tpu.memory_space<semaphore_mem>>)
    %add3A_62 = arith.constant 160 : i32
    %add3A_63 = arith.addi %multiple_of3A, %add3A_62 : i32
    %multiple_of3A_64 = tpu.assume_multiple %add3A_63, 8 : i32
    %dma_start3A_65 = arith.constant 2 : i32
    %dma_start3A_66 = arith.constant 2 : i32
    %dma_start3A_67 = arith.constant 0 : i32
    %dma_start3A_68 = tpu.memref_slice %arg7[%dma_start3A_65, %dma_start3A_67] : memref<4x80xi32, #tpu.memory_space<vmem>> -> memref<1x80xi32, #tpu.memory_space<vmem>>
    %dma_start3A_69 = tpu.memref_squeeze %dma_start3A_68 : memref<1x80xi32, #tpu.memory_space<vmem>> -> memref<80xi32, #tpu.memory_space<vmem>>
    %dma_start3A_70 = tpu.memref_slice %arg3[%multiple_of3A_64] : memref<320000xi32, #tpu.memory_space<hbm>> -> memref<80xi32, #tpu.memory_space<hbm>>
    %dma_start3A_71 = tpu.memref_slice %arg12[%dma_start3A_66] : memref<4x!tpu.dma_semaphore, #tpu.memory_space<semaphore_mem>> -> memref<1x!tpu.dma_semaphore, #tpu.memory_space<semaphore_mem>>
    %dma_start3A_72 = tpu.memref_squeeze %dma_start3A_71 : memref<1x!tpu.dma_semaphore, #tpu.memory_space<semaphore_mem>> -> memref<!tpu.dma_semaphore, #tpu.memory_space<semaphore_mem>>
    %dma_start3A_73 = arith.constant 0 : i32
    %dma_start3A_74 = tpu.memref_slice %arg7[%dma_start3A_65, %dma_start3A_73] : memref<4x80xi32, #tpu.memory_space<vmem>> -> memref<1x80xi32, #tpu.memory_space<vmem>>
    %dma_start3A_75 = tpu.memref_squeeze %dma_start3A_74 : memref<1x80xi32, #tpu.memory_space<vmem>> -> memref<80xi32, #tpu.memory_space<vmem>>
    %dma_start3A_76 = tpu.memref_slice %arg3[%multiple_of3A_64] : memref<320000xi32, #tpu.memory_space<hbm>> -> memref<80xi32, #tpu.memory_space<hbm>>
    tpu.enqueue_dma source(%dma_start3A_76 : memref<80xi32, #tpu.memory_space<hbm>>) target(%dma_start3A_75 : memref<80xi32, #tpu.memory_space<vmem>>) target_semaphore(%dma_start3A_72 : memref<!tpu.dma_semaphore, #tpu.memory_space<semaphore_mem>>)
    %add3A_77 = arith.constant 160 : i32
    %add3A_78 = arith.addi %multiple_of3A, %add3A_77 : i32
    %multiple_of3A_79 = tpu.assume_multiple %add3A_78, 8 : i32
    %dma_start3A_80 = arith.constant 2 : i32
    %dma_start3A_81 = arith.constant 2 : i32
    %dma_start3A_82 = arith.constant 0 : i32
    %dma_start3A_83 = tpu.memref_slice %arg8[%dma_start3A_80, %dma_start3A_82] : memref<4x80xi32, #tpu.memory_space<vmem>> -> memref<1x80xi32, #tpu.memory_space<vmem>>
    %dma_start3A_84 = tpu.memref_squeeze %dma_start3A_83 : memref<1x80xi32, #tpu.memory_space<vmem>> -> memref<80xi32, #tpu.memory_space<vmem>>
    %dma_start3A_85 = tpu.memref_slice %arg4[%multiple_of3A_79] : memref<320000xi32, #tpu.memory_space<hbm>> -> memref<80xi32, #tpu.memory_space<hbm>>
    %dma_start3A_86 = tpu.memref_slice %arg12[%dma_start3A_81] : memref<4x!tpu.dma_semaphore, #tpu.memory_space<semaphore_mem>> -> memref<1x!tpu.dma_semaphore, #tpu.memory_space<semaphore_mem>>
    %dma_start3A_87 = tpu.memref_squeeze %dma_start3A_86 : memref<1x!tpu.dma_semaphore, #tpu.memory_space<semaphore_mem>> -> memref<!tpu.dma_semaphore, #tpu.memory_space<semaphore_mem>>
    %dma_start3A_88 = arith.constant 0 : i32
    %dma_start3A_89 = tpu.memref_slice %arg8[%dma_start3A_80, %dma_start3A_88] : memref<4x80xi32, #tpu.memory_space<vmem>> -> memref<1x80xi32, #tpu.memory_space<vmem>>
    %dma_start3A_90 = tpu.memref_squeeze %dma_start3A_89 : memref<1x80xi32, #tpu.memory_space<vmem>> -> memref<80xi32, #tpu.memory_space<vmem>>
    %dma_start3A_91 = tpu.memref_slice %arg4[%multiple_of3A_79] : memref<320000xi32, #tpu.memory_space<hbm>> -> memref<80xi32, #tpu.memory_space<hbm>>
    tpu.enqueue_dma source(%dma_start3A_91 : memref<80xi32, #tpu.memory_space<hbm>>) target(%dma_start3A_90 : memref<80xi32, #tpu.memory_space<vmem>>) target_semaphore(%dma_start3A_87 : memref<!tpu.dma_semaphore, #tpu.memory_space<semaphore_mem>>)
    %broadcast_in_dim3A = arith.constant 0.000000e+00 : f32
    %broadcast_in_dim3A_92 = vector.broadcast %broadcast_in_dim3A : f32 to vector<16xf32>
    %scan3A = arith.constant 0 : i32
    %scan3A_93 = arith.constant 0 : i32
    %scan3A_94 = arith.constant 80 : i32
    %scan3A_95 = arith.addi %scan3A_93, %scan3A_94 : i32
    %scan3A_96 = arith.constant 1 : i32
    scf.for %scan3A_297 = %scan3A_93 to %scan3A_95 step %scan3A_96  : i32 {
      %swap3A = arith.constant 0 : i32
      %swap3A_298 = arith.index_cast %swap3A : i32 to index
      %swap3A_299 = arith.index_cast %scan3A_297 : i32 to index
      %swap3A_300 = arith.constant 0 : index
      %swap3A_301 = tpu.vector_load %arg9[%swap3A_298, %swap3A_299, %swap3A_300] {strides = array<i32>} : memref<4x80x128xf32, #tpu.memory_space<vmem>>, vector<1x1x16xf32>,
      %swap3A_302 = vector.shape_cast %swap3A_301 : vector<1x1x16xf32> to vector<16xf32>
      %swap3A_303 = vector.shape_cast %broadcast_in_dim3A_92 : vector<16xf32> to vector<1x1x16xf32>
      tpu.vector_store %arg9[%swap3A_298, %swap3A_299, %swap3A_300], %swap3A_303 {strides = array<i32>} : memref<4x80x128xf32, #tpu.memory_space<vmem>>, vector<1x1x16xf32>,
      %swap3A_304 = arith.constant 0 : i32
      %swap3A_305 = arith.index_cast %swap3A_304 : i32 to index
      %swap3A_306 = arith.index_cast %scan3A_297 : i32 to index
      %swap3A_307 = arith.constant 16 : index
      %swap3A_308 = tpu.vector_load %arg9[%swap3A_305, %swap3A_306, %swap3A_307] {strides = array<i32>} : memref<4x80x128xf32, #tpu.memory_space<vmem>>, vector<1x1x16xf32>,
      %swap3A_309 = vector.shape_cast %swap3A_308 : vector<1x1x16xf32> to vector<16xf32>
      %swap3A_310 = vector.shape_cast %broadcast_in_dim3A_92 : vector<16xf32> to vector<1x1x16xf32>
      tpu.vector_store %arg9[%swap3A_305, %swap3A_306, %swap3A_307], %swap3A_310 {strides = array<i32>} : memref<4x80x128xf32, #tpu.memory_space<vmem>>, vector<1x1x16xf32>,
      %swap3A_311 = arith.constant 0 : i32
      %swap3A_312 = arith.index_cast %swap3A_311 : i32 to index
      %swap3A_313 = arith.index_cast %scan3A_297 : i32 to index
      %swap3A_314 = arith.constant 32 : index
      %swap3A_315 = tpu.vector_load %arg9[%swap3A_312, %swap3A_313, %swap3A_314] {strides = array<i32>} : memref<4x80x128xf32, #tpu.memory_space<vmem>>, vector<1x1x16xf32>,
      %swap3A_316 = vector.shape_cast %swap3A_315 : vector<1x1x16xf32> to vector<16xf32>
      %swap3A_317 = vector.shape_cast %broadcast_in_dim3A_92 : vector<16xf32> to vector<1x1x16xf32>
      tpu.vector_store %arg9[%swap3A_312, %swap3A_313, %swap3A_314], %swap3A_317 {strides = array<i32>} : memref<4x80x128xf32, #tpu.memory_space<vmem>>, vector<1x1x16xf32>,
      %swap3A_318 = arith.constant 0 : i32
      %swap3A_319 = arith.index_cast %swap3A_318 : i32 to index
      %swap3A_320 = arith.index_cast %scan3A_297 : i32 to index
      %swap3A_321 = arith.constant 48 : index
      %swap3A_322 = tpu.vector_load %arg9[%swap3A_319, %swap3A_320, %swap3A_321] {strides = array<i32>} : memref<4x80x128xf32, #tpu.memory_space<vmem>>, vector<1x1x16xf32>,
      %swap3A_323 = vector.shape_cast %swap3A_322 : vector<1x1x16xf32> to vector<16xf32>
      %swap3A_324 = vector.shape_cast %broadcast_in_dim3A_92 : vector<16xf32> to vector<1x1x16xf32>
      tpu.vector_store %arg9[%swap3A_319, %swap3A_320, %swap3A_321], %swap3A_324 {strides = array<i32>} : memref<4x80x128xf32, #tpu.memory_space<vmem>>, vector<1x1x16xf32>,
      %swap3A_325 = arith.constant 0 : i32
      %swap3A_326 = arith.index_cast %swap3A_325 : i32 to index
      %swap3A_327 = arith.index_cast %scan3A_297 : i32 to index
      %swap3A_328 = arith.constant 64 : index
      %swap3A_329 = tpu.vector_load %arg9[%swap3A_326, %swap3A_327, %swap3A_328] {strides = array<i32>} : memref<4x80x128xf32, #tpu.memory_space<vmem>>, vector<1x1x16xf32>,
      %swap3A_330 = vector.shape_cast %swap3A_329 : vector<1x1x16xf32> to vector<16xf32>
      %swap3A_331 = vector.shape_cast %broadcast_in_dim3A_92 : vector<16xf32> to vector<1x1x16xf32>
      tpu.vector_store %arg9[%swap3A_326, %swap3A_327, %swap3A_328], %swap3A_331 {strides = array<i32>} : memref<4x80x128xf32, #tpu.memory_space<vmem>>, vector<1x1x16xf32>,
      %swap3A_332 = arith.constant 0 : i32
      %swap3A_333 = arith.index_cast %swap3A_332 : i32 to index
      %swap3A_334 = arith.index_cast %scan3A_297 : i32 to index
      %swap3A_335 = arith.constant 80 : index
      %swap3A_336 = tpu.vector_load %arg9[%swap3A_333, %swap3A_334, %swap3A_335] {strides = array<i32>} : memref<4x80x128xf32, #tpu.memory_space<vmem>>, vector<1x1x16xf32>,
      %swap3A_337 = vector.shape_cast %swap3A_336 : vector<1x1x16xf32> to vector<16xf32>
      %swap3A_338 = vector.shape_cast %broadcast_in_dim3A_92 : vector<16xf32> to vector<1x1x16xf32>
      tpu.vector_store %arg9[%swap3A_333, %swap3A_334, %swap3A_335], %swap3A_338 {strides = array<i32>} : memref<4x80x128xf32, #tpu.memory_space<vmem>>, vector<1x1x16xf32>,
      %swap3A_339 = arith.constant 0 : i32
      %swap3A_340 = arith.index_cast %swap3A_339 : i32 to index
      %swap3A_341 = arith.index_cast %scan3A_297 : i32 to index
      %swap3A_342 = arith.constant 96 : index
      %swap3A_343 = tpu.vector_load %arg9[%swap3A_340, %swap3A_341, %swap3A_342] {strides = array<i32>} : memref<4x80x128xf32, #tpu.memory_space<vmem>>, vector<1x1x16xf32>,
      %swap3A_344 = vector.shape_cast %swap3A_343 : vector<1x1x16xf32> to vector<16xf32>
      %swap3A_345 = vector.shape_cast %broadcast_in_dim3A_92 : vector<16xf32> to vector<1x1x16xf32>
      tpu.vector_store %arg9[%swap3A_340, %swap3A_341, %swap3A_342], %swap3A_345 {strides = array<i32>} : memref<4x80x128xf32, #tpu.memory_space<vmem>>, vector<1x1x16xf32>,
      %swap3A_346 = arith.constant 0 : i32
      %swap3A_347 = arith.index_cast %swap3A_346 : i32 to index
      %swap3A_348 = arith.index_cast %scan3A_297 : i32 to index
      %swap3A_349 = arith.constant 112 : index
      %swap3A_350 = tpu.vector_load %arg9[%swap3A_347, %swap3A_348, %swap3A_349] {strides = array<i32>} : memref<4x80x128xf32, #tpu.memory_space<vmem>>, vector<1x1x16xf32>,
      %swap3A_351 = vector.shape_cast %swap3A_350 : vector<1x1x16xf32> to vector<16xf32>
      %swap3A_352 = vector.shape_cast %broadcast_in_dim3A_92 : vector<16xf32> to vector<1x1x16xf32>
      tpu.vector_store %arg9[%swap3A_347, %swap3A_348, %swap3A_349], %swap3A_352 {strides = array<i32>} : memref<4x80x128xf32, #tpu.memory_space<vmem>>, vector<1x1x16xf32>,
    }
    %scan3A_97 = arith.constant 80 : i32
    %mul3A_98 = arith.constant 632 : i32
    %mul3A_99 = arith.muli %arg1, %mul3A_98 : i32
    %add3A_100 = arith.constant 0 : i32
    %add3A_101 = arith.addi %mul3A_99, %add3A_100 : i32
    %run_scoped3A = arith.constant 0 : i32
    "tpu.region"() ({
      %run_scoped3A_297 = tpu.sem_alloc : memref<!tpu.dma_semaphore, #tpu.memory_space<semaphore_mem>>
      %dma_start3A_298 = arith.constant 0 : i32
      %dma_start3A_299 = arith.constant 0 : i32
      %dma_start3A_300 = tpu.memref_slice %arg9[%run_scoped3A, %dma_start3A_298, %dma_start3A_299] : memref<4x80x128xf32, #tpu.memory_space<vmem>> -> memref<1x80x128xf32, #tpu.memory_space<vmem>>
      %dma_start3A_301 = tpu.memref_squeeze %dma_start3A_300 : memref<1x80x128xf32, #tpu.memory_space<vmem>> -> memref<80x128xf32, #tpu.memory_space<vmem>>
      %dma_start3A_302 = arith.constant 0 : i32
      %dma_start3A_303 = tpu.memref_slice %arg6[%add3A_101, %dma_start3A_302] : memref<10112x128xf32, #tpu.memory_space<vmem_shared>> -> memref<80x128xf32, #tpu.memory_space<vmem_shared>>
      %dma_start3A_304 = arith.constant 0 : i32
      %dma_start3A_305 = tpu.memref_slice %arg6[%add3A_101, %dma_start3A_304] : memref<10112x128xf32, #tpu.memory_space<vmem_shared>> -> memref<80x128xf32, #tpu.memory_space<vmem_shared>>
      %dma_start3A_306 = arith.constant 0 : i32
      %dma_start3A_307 = arith.constant 0 : i32
      %dma_start3A_308 = tpu.memref_slice %arg9[%run_scoped3A, %dma_start3A_306, %dma_start3A_307] : memref<4x80x128xf32, #tpu.memory_space<vmem>> -> memref<1x80x128xf32, #tpu.memory_space<vmem>>
      %dma_start3A_309 = tpu.memref_squeeze %dma_start3A_308 : memref<1x80x128xf32, #tpu.memory_space<vmem>> -> memref<80x128xf32, #tpu.memory_space<vmem>>
      tpu.enqueue_dma source(%dma_start3A_309 : memref<80x128xf32, #tpu.memory_space<vmem>>) target(%dma_start3A_305 : memref<80x128xf32, #tpu.memory_space<vmem_shared>>) target_semaphore(%run_scoped3A_297 : memref<!tpu.dma_semaphore, #tpu.memory_space<semaphore_mem>>)
      %dma_wait3A_310 = arith.constant 0 : i32
      %dma_wait3A_311 = arith.constant 0 : i32
      %dma_wait3A_312 = tpu.memref_slice %arg9[%run_scoped3A, %dma_wait3A_310, %dma_wait3A_311] : memref<4x80x128xf32, #tpu.memory_space<vmem>> -> memref<1x80x128xf32, #tpu.memory_space<vmem>>
      %dma_wait3A_313 = tpu.memref_squeeze %dma_wait3A_312 : memref<1x80x128xf32, #tpu.memory_space<vmem>> -> memref<80x128xf32, #tpu.memory_space<vmem>>
      %dma_wait3A_314 = arith.constant 0 : i32
      %dma_wait3A_315 = tpu.memref_slice %arg6[%add3A_101, %dma_wait3A_314] : memref<10112x128xf32, #tpu.memory_space<vmem_shared>> -> memref<80x128xf32, #tpu.memory_space<vmem_shared>>
      %dma_wait3A_316 = arith.constant 0 : i32
      %dma_wait3A_317 = tpu.memref_slice %arg6[%add3A_101, %dma_wait3A_316] : memref<10112x128xf32, #tpu.memory_space<vmem_shared>> -> memref<80x128xf32, #tpu.memory_space<vmem_shared>>
      %dma_wait3A_318 = arith.constant 0 : i32
      %dma_wait3A_319 = arith.constant 0 : i32
      %dma_wait3A_320 = tpu.memref_slice %arg9[%run_scoped3A, %dma_wait3A_318, %dma_wait3A_319] : memref<4x80x128xf32, #tpu.memory_space<vmem>> -> memref<1x80x128xf32, #tpu.memory_space<vmem>>
      %dma_wait3A_321 = tpu.memref_squeeze %dma_wait3A_320 : memref<1x80x128xf32, #tpu.memory_space<vmem>> -> memref<80x128xf32, #tpu.memory_space<vmem>>
      tpu.wait_dma2 semaphore(%run_scoped3A_297 : memref<!tpu.dma_semaphore, #tpu.memory_space<semaphore_mem>>) src(%dma_wait3A_321 : memref<80x128xf32, #tpu.memory_space<vmem>>) dst(%dma_wait3A_317 : memref<80x128xf32, #tpu.memory_space<vmem_shared>>)
      tpu.yield
    }) : () -> ()
    %mul3A_102 = arith.constant 632 : i32
    %mul3A_103 = arith.muli %arg1, %mul3A_102 : i32
    %add3A_104 = arith.constant 80 : i32
    %add3A_105 = arith.addi %mul3A_103, %add3A_104 : i32
    %run_scoped3A_106 = arith.constant 0 : i32
    "tpu.region"() ({
      %run_scoped3A_297 = tpu.sem_alloc : memref<!tpu.dma_semaphore, #tpu.memory_space<semaphore_mem>>
      %dma_start3A_298 = arith.constant 0 : i32
      %dma_start3A_299 = arith.constant 0 : i32
      %dma_start3A_300 = tpu.memref_slice %arg9[%run_scoped3A_106, %dma_start3A_298, %dma_start3A_299] : memref<4x80x128xf32, #tpu.memory_space<vmem>> -> memref<1x80x128xf32, #tpu.memory_space<vmem>>
      %dma_start3A_301 = tpu.memref_squeeze %dma_start3A_300 : memref<1x80x128xf32, #tpu.memory_space<vmem>> -> memref<80x128xf32, #tpu.memory_space<vmem>>
      %dma_start3A_302 = arith.constant 0 : i32
      %dma_start3A_303 = tpu.memref_slice %arg6[%add3A_105, %dma_start3A_302] : memref<10112x128xf32, #tpu.memory_space<vmem_shared>> -> memref<80x128xf32, #tpu.memory_space<vmem_shared>>
      %dma_start3A_304 = arith.constant 0 : i32
      %dma_start3A_305 = tpu.memref_slice %arg6[%add3A_105, %dma_start3A_304] : memref<10112x128xf32, #tpu.memory_space<vmem_shared>> -> memref<80x128xf32, #tpu.memory_space<vmem_shared>>
      %dma_start3A_306 = arith.constant 0 : i32
      %dma_start3A_307 = arith.constant 0 : i32
      %dma_start3A_308 = tpu.memref_slice %arg9[%run_scoped3A_106, %dma_start3A_306, %dma_start3A_307] : memref<4x80x128xf32, #tpu.memory_space<vmem>> -> memref<1x80x128xf32, #tpu.memory_space<vmem>>
      %dma_start3A_309 = tpu.memref_squeeze %dma_start3A_308 : memref<1x80x128xf32, #tpu.memory_space<vmem>> -> memref<80x128xf32, #tpu.memory_space<vmem>>
      tpu.enqueue_dma source(%dma_start3A_309 : memref<80x128xf32, #tpu.memory_space<vmem>>) target(%dma_start3A_305 : memref<80x128xf32, #tpu.memory_space<vmem_shared>>) target_semaphore(%run_scoped3A_297 : memref<!tpu.dma_semaphore, #tpu.memory_space<semaphore_mem>>)
      %dma_wait3A_310 = arith.constant 0 : i32
      %dma_wait3A_311 = arith.constant 0 : i32
      %dma_wait3A_312 = tpu.memref_slice %arg9[%run_scoped3A_106, %dma_wait3A_310, %dma_wait3A_311] : memref<4x80x128xf32, #tpu.memory_space<vmem>> -> memref<1x80x128xf32, #tpu.memory_space<vmem>>
      %dma_wait3A_313 = tpu.memref_squeeze %dma_wait3A_312 : memref<1x80x128xf32, #tpu.memory_space<vmem>> -> memref<80x128xf32, #tpu.memory_space<vmem>>
      %dma_wait3A_314 = arith.constant 0 : i32
      %dma_wait3A_315 = tpu.memref_slice %arg6[%add3A_105, %dma_wait3A_314] : memref<10112x128xf32, #tpu.memory_space<vmem_shared>> -> memref<80x128xf32, #tpu.memory_space<vmem_shared>>
      %dma_wait3A_316 = arith.constant 0 : i32
      %dma_wait3A_317 = tpu.memref_slice %arg6[%add3A_105, %dma_wait3A_316] : memref<10112x128xf32, #tpu.memory_space<vmem_shared>> -> memref<80x128xf32, #tpu.memory_space<vmem_shared>>
      %dma_wait3A_318 = arith.constant 0 : i32
      %dma_wait3A_319 = arith.constant 0 : i32
      %dma_wait3A_320 = tpu.memref_slice %arg9[%run_scoped3A_106, %dma_wait3A_318, %dma_wait3A_319] : memref<4x80x128xf32, #tpu.memory_space<vmem>> -> memref<1x80x128xf32, #tpu.memory_space<vmem>>
      %dma_wait3A_321 = tpu.memref_squeeze %dma_wait3A_320 : memref<1x80x128xf32, #tpu.memory_space<vmem>> -> memref<80x128xf32, #tpu.memory_space<vmem>>
      tpu.wait_dma2 semaphore(%run_scoped3A_297 : memref<!tpu.dma_semaphore, #tpu.memory_space<semaphore_mem>>) src(%dma_wait3A_321 : memref<80x128xf32, #tpu.memory_space<vmem>>) dst(%dma_wait3A_317 : memref<80x128xf32, #tpu.memory_space<vmem_shared>>)
      tpu.yield
    }) : () -> ()
    %mul3A_107 = arith.constant 632 : i32
    %mul3A_108 = arith.muli %arg1, %mul3A_107 : i32
    %add3A_109 = arith.constant 160 : i32
    %add3A_110 = arith.addi %mul3A_108, %add3A_109 : i32
    %run_scoped3A_111 = arith.constant 0 : i32
    "tpu.region"() ({
      %run_scoped3A_297 = tpu.sem_alloc : memref<!tpu.dma_semaphore, #tpu.memory_space<semaphore_mem>>
      %dma_start3A_298 = arith.constant 0 : i32
      %dma_start3A_299 = arith.constant 0 : i32
      %dma_start3A_300 = tpu.memref_slice %arg9[%run_scoped3A_111, %dma_start3A_298, %dma_start3A_299] : memref<4x80x128xf32, #tpu.memory_space<vmem>> -> memref<1x80x128xf32, #tpu.memory_space<vmem>>
      %dma_start3A_301 = tpu.memref_squeeze %dma_start3A_300 : memref<1x80x128xf32, #tpu.memory_space<vmem>> -> memref<80x128xf32, #tpu.memory_space<vmem>>
      %dma_start3A_302 = arith.constant 0 : i32
      %dma_start3A_303 = tpu.memref_slice %arg6[%add3A_110, %dma_start3A_302] : memref<10112x128xf32, #tpu.memory_space<vmem_shared>> -> memref<80x128xf32, #tpu.memory_space<vmem_shared>>
      %dma_start3A_304 = arith.constant 0 : i32
      %dma_start3A_305 = tpu.memref_slice %arg6[%add3A_110, %dma_start3A_304] : memref<10112x128xf32, #tpu.memory_space<vmem_shared>> -> memref<80x128xf32, #tpu.memory_space<vmem_shared>>
      %dma_start3A_306 = arith.constant 0 : i32
      %dma_start3A_307 = arith.constant 0 : i32
      %dma_start3A_308 = tpu.memref_slice %arg9[%run_scoped3A_111, %dma_start3A_306, %dma_start3A_307] : memref<4x80x128xf32, #tpu.memory_space<vmem>> -> memref<1x80x128xf32, #tpu.memory_space<vmem>>
      %dma_start3A_309 = tpu.memref_squeeze %dma_start3A_308 : memref<1x80x128xf32, #tpu.memory_space<vmem>> -> memref<80x128xf32, #tpu.memory_space<vmem>>
      tpu.enqueue_dma source(%dma_start3A_309 : memref<80x128xf32, #tpu.memory_space<vmem>>) target(%dma_start3A_305 : memref<80x128xf32, #tpu.memory_space<vmem_shared>>) target_semaphore(%run_scoped3A_297 : memref<!tpu.dma_semaphore, #tpu.memory_space<semaphore_mem>>)
      %dma_wait3A_310 = arith.constant 0 : i32
      %dma_wait3A_311 = arith.constant 0 : i32
      %dma_wait3A_312 = tpu.memref_slice %arg9[%run_scoped3A_111, %dma_wait3A_310, %dma_wait3A_311] : memref<4x80x128xf32, #tpu.memory_space<vmem>> -> memref<1x80x128xf32, #tpu.memory_space<vmem>>
      %dma_wait3A_313 = tpu.memref_squeeze %dma_wait3A_312 : memref<1x80x128xf32, #tpu.memory_space<vmem>> -> memref<80x128xf32, #tpu.memory_space<vmem>>
      %dma_wait3A_314 = arith.constant 0 : i32
      %dma_wait3A_315 = tpu.memref_slice %arg6[%add3A_110, %dma_wait3A_314] : memref<10112x128xf32, #tpu.memory_space<vmem_shared>> -> memref<80x128xf32, #tpu.memory_space<vmem_shared>>
      %dma_wait3A_316 = arith.constant 0 : i32
      %dma_wait3A_317 = tpu.memref_slice %arg6[%add3A_110, %dma_wait3A_316] : memref<10112x128xf32, #tpu.memory_space<vmem_shared>> -> memref<80x128xf32, #tpu.memory_space<vmem_shared>>
      %dma_wait3A_318 = arith.constant 0 : i32
      %dma_wait3A_319 = arith.constant 0 : i32
      %dma_wait3A_320 = tpu.memref_slice %arg9[%run_scoped3A_111, %dma_wait3A_318, %dma_wait3A_319] : memref<4x80x128xf32, #tpu.memory_space<vmem>> -> memref<1x80x128xf32, #tpu.memory_space<vmem>>
      %dma_wait3A_321 = tpu.memref_squeeze %dma_wait3A_320 : memref<1x80x128xf32, #tpu.memory_space<vmem>> -> memref<80x128xf32, #tpu.memory_space<vmem>>
      tpu.wait_dma2 semaphore(%run_scoped3A_297 : memref<!tpu.dma_semaphore, #tpu.memory_space<semaphore_mem>>) src(%dma_wait3A_321 : memref<80x128xf32, #tpu.memory_space<vmem>>) dst(%dma_wait3A_317 : memref<80x128xf32, #tpu.memory_space<vmem_shared>>)
      tpu.yield
    }) : () -> ()
    %mul3A_112 = arith.constant 632 : i32
    %mul3A_113 = arith.muli %arg1, %mul3A_112 : i32
    %add3A_114 = arith.constant 240 : i32
    %add3A_115 = arith.addi %mul3A_113, %add3A_114 : i32
    %run_scoped3A_116 = arith.constant 0 : i32
    "tpu.region"() ({
      %run_scoped3A_297 = tpu.sem_alloc : memref<!tpu.dma_semaphore, #tpu.memory_space<semaphore_mem>>
      %dma_start3A_298 = arith.constant 0 : i32
      %dma_start3A_299 = arith.constant 0 : i32
      %dma_start3A_300 = tpu.memref_slice %arg9[%run_scoped3A_116, %dma_start3A_298, %dma_start3A_299] : memref<4x80x128xf32, #tpu.memory_space<vmem>> -> memref<1x80x128xf32, #tpu.memory_space<vmem>>
      %dma_start3A_301 = tpu.memref_squeeze %dma_start3A_300 : memref<1x80x128xf32, #tpu.memory_space<vmem>> -> memref<80x128xf32, #tpu.memory_space<vmem>>
      %dma_start3A_302 = arith.constant 0 : i32
      %dma_start3A_303 = tpu.memref_slice %arg6[%add3A_115, %dma_start3A_302] : memref<10112x128xf32, #tpu.memory_space<vmem_shared>> -> memref<80x128xf32, #tpu.memory_space<vmem_shared>>
      %dma_start3A_304 = arith.constant 0 : i32
      %dma_start3A_305 = tpu.memref_slice %arg6[%add3A_115, %dma_start3A_304] : memref<10112x128xf32, #tpu.memory_space<vmem_shared>> -> memref<80x128xf32, #tpu.memory_space<vmem_shared>>
      %dma_start3A_306 = arith.constant 0 : i32
      %dma_start3A_307 = arith.constant 0 : i32
      %dma_start3A_308 = tpu.memref_slice %arg9[%run_scoped3A_116, %dma_start3A_306, %dma_start3A_307] : memref<4x80x128xf32, #tpu.memory_space<vmem>> -> memref<1x80x128xf32, #tpu.memory_space<vmem>>
      %dma_start3A_309 = tpu.memref_squeeze %dma_start3A_308 : memref<1x80x128xf32, #tpu.memory_space<vmem>> -> memref<80x128xf32, #tpu.memory_space<vmem>>
      tpu.enqueue_dma source(%dma_start3A_309 : memref<80x128xf32, #tpu.memory_space<vmem>>) target(%dma_start3A_305 : memref<80x128xf32, #tpu.memory_space<vmem_shared>>) target_semaphore(%run_scoped3A_297 : memref<!tpu.dma_semaphore, #tpu.memory_space<semaphore_mem>>)
      %dma_wait3A_310 = arith.constant 0 : i32
      %dma_wait3A_311 = arith.constant 0 : i32
      %dma_wait3A_312 = tpu.memref_slice %arg9[%run_scoped3A_116, %dma_wait3A_310, %dma_wait3A_311] : memref<4x80x128xf32, #tpu.memory_space<vmem>> -> memref<1x80x128xf32, #tpu.memory_space<vmem>>
      %dma_wait3A_313 = tpu.memref_squeeze %dma_wait3A_312 : memref<1x80x128xf32, #tpu.memory_space<vmem>> -> memref<80x128xf32, #tpu.memory_space<vmem>>
      %dma_wait3A_314 = arith.constant 0 : i32
      %dma_wait3A_315 = tpu.memref_slice %arg6[%add3A_115, %dma_wait3A_314] : memref<10112x128xf32, #tpu.memory_space<vmem_shared>> -> memref<80x128xf32, #tpu.memory_space<vmem_shared>>
      %dma_wait3A_316 = arith.constant 0 : i32
      %dma_wait3A_317 = tpu.memref_slice %arg6[%add3A_115, %dma_wait3A_316] : memref<10112x128xf32, #tpu.memory_space<vmem_shared>> -> memref<80x128xf32, #tpu.memory_space<vmem_shared>>
      %dma_wait3A_318 = arith.constant 0 : i32
      %dma_wait3A_319 = arith.constant 0 : i32
      %dma_wait3A_320 = tpu.memref_slice %arg9[%run_scoped3A_116, %dma_wait3A_318, %dma_wait3A_319] : memref<4x80x128xf32, #tpu.memory_space<vmem>> -> memref<1x80x128xf32, #tpu.memory_space<vmem>>
      %dma_wait3A_321 = tpu.memref_squeeze %dma_wait3A_320 : memref<1x80x128xf32, #tpu.memory_space<vmem>> -> memref<80x128xf32, #tpu.memory_space<vmem>>
      tpu.wait_dma2 semaphore(%run_scoped3A_297 : memref<!tpu.dma_semaphore, #tpu.memory_space<semaphore_mem>>) src(%dma_wait3A_321 : memref<80x128xf32, #tpu.memory_space<vmem>>) dst(%dma_wait3A_317 : memref<80x128xf32, #tpu.memory_space<vmem_shared>>)
      tpu.yield
    }) : () -> ()
    %mul3A_117 = arith.constant 632 : i32
    %mul3A_118 = arith.muli %arg1, %mul3A_117 : i32
    %add3A_119 = arith.constant 320 : i32
    %add3A_120 = arith.addi %mul3A_118, %add3A_119 : i32
    %run_scoped3A_121 = arith.constant 0 : i32
    "tpu.region"() ({
      %run_scoped3A_297 = tpu.sem_alloc : memref<!tpu.dma_semaphore, #tpu.memory_space<semaphore_mem>>
      %dma_start3A_298 = arith.constant 0 : i32
      %dma_start3A_299 = arith.constant 0 : i32
      %dma_start3A_300 = tpu.memref_slice %arg9[%run_scoped3A_121, %dma_start3A_298, %dma_start3A_299] : memref<4x80x128xf32, #tpu.memory_space<vmem>> -> memref<1x80x128xf32, #tpu.memory_space<vmem>>
      %dma_start3A_301 = tpu.memref_squeeze %dma_start3A_300 : memref<1x80x128xf32, #tpu.memory_space<vmem>> -> memref<80x128xf32, #tpu.memory_space<vmem>>
      %dma_start3A_302 = arith.constant 0 : i32
      %dma_start3A_303 = tpu.memref_slice %arg6[%add3A_120, %dma_start3A_302] : memref<10112x128xf32, #tpu.memory_space<vmem_shared>> -> memref<80x128xf32, #tpu.memory_space<vmem_shared>>
      %dma_start3A_304 = arith.constant 0 : i32
      %dma_start3A_305 = tpu.memref_slice %arg6[%add3A_120, %dma_start3A_304] : memref<10112x128xf32, #tpu.memory_space<vmem_shared>> -> memref<80x128xf32, #tpu.memory_space<vmem_shared>>
      %dma_start3A_306 = arith.constant 0 : i32
      %dma_start3A_307 = arith.constant 0 : i32
      %dma_start3A_308 = tpu.memref_slice %arg9[%run_scoped3A_121, %dma_start3A_306, %dma_start3A_307] : memref<4x80x128xf32, #tpu.memory_space<vmem>> -> memref<1x80x128xf32, #tpu.memory_space<vmem>>
      %dma_start3A_309 = tpu.memref_squeeze %dma_start3A_308 : memref<1x80x128xf32, #tpu.memory_space<vmem>> -> memref<80x128xf32, #tpu.memory_space<vmem>>
      tpu.enqueue_dma source(%dma_start3A_309 : memref<80x128xf32, #tpu.memory_space<vmem>>) target(%dma_start3A_305 : memref<80x128xf32, #tpu.memory_space<vmem_shared>>) target_semaphore(%run_scoped3A_297 : memref<!tpu.dma_semaphore, #tpu.memory_space<semaphore_mem>>)
      %dma_wait3A_310 = arith.constant 0 : i32
      %dma_wait3A_311 = arith.constant 0 : i32
      %dma_wait3A_312 = tpu.memref_slice %arg9[%run_scoped3A_121, %dma_wait3A_310, %dma_wait3A_311] : memref<4x80x128xf32, #tpu.memory_space<vmem>> -> memref<1x80x128xf32, #tpu.memory_space<vmem>>
      %dma_wait3A_313 = tpu.memref_squeeze %dma_wait3A_312 : memref<1x80x128xf32, #tpu.memory_space<vmem>> -> memref<80x128xf32, #tpu.memory_space<vmem>>
      %dma_wait3A_314 = arith.constant 0 : i32
      %dma_wait3A_315 = tpu.memref_slice %arg6[%add3A_120, %dma_wait3A_314] : memref<10112x128xf32, #tpu.memory_space<vmem_shared>> -> memref<80x128xf32, #tpu.memory_space<vmem_shared>>
      %dma_wait3A_316 = arith.constant 0 : i32
      %dma_wait3A_317 = tpu.memref_slice %arg6[%add3A_120, %dma_wait3A_316] : memref<10112x128xf32, #tpu.memory_space<vmem_shared>> -> memref<80x128xf32, #tpu.memory_space<vmem_shared>>
      %dma_wait3A_318 = arith.constant 0 : i32
      %dma_wait3A_319 = arith.constant 0 : i32
      %dma_wait3A_320 = tpu.memref_slice %arg9[%run_scoped3A_121, %dma_wait3A_318, %dma_wait3A_319] : memref<4x80x128xf32, #tpu.memory_space<vmem>> -> memref<1x80x128xf32, #tpu.memory_space<vmem>>
      %dma_wait3A_321 = tpu.memref_squeeze %dma_wait3A_320 : memref<1x80x128xf32, #tpu.memory_space<vmem>> -> memref<80x128xf32, #tpu.memory_space<vmem>>
      tpu.wait_dma2 semaphore(%run_scoped3A_297 : memref<!tpu.dma_semaphore, #tpu.memory_space<semaphore_mem>>) src(%dma_wait3A_321 : memref<80x128xf32, #tpu.memory_space<vmem>>) dst(%dma_wait3A_317 : memref<80x128xf32, #tpu.memory_space<vmem_shared>>)
      tpu.yield
    }) : () -> ()
    %mul3A_122 = arith.constant 632 : i32
    %mul3A_123 = arith.muli %arg1, %mul3A_122 : i32
    %add3A_124 = arith.constant 400 : i32
    %add3A_125 = arith.addi %mul3A_123, %add3A_124 : i32
    %run_scoped3A_126 = arith.constant 0 : i32
    "tpu.region"() ({
      %run_scoped3A_297 = tpu.sem_alloc : memref<!tpu.dma_semaphore, #tpu.memory_space<semaphore_mem>>
      %dma_start3A_298 = arith.constant 0 : i32
      %dma_start3A_299 = arith.constant 0 : i32
      %dma_start3A_300 = tpu.memref_slice %arg9[%run_scoped3A_126, %dma_start3A_298, %dma_start3A_299] : memref<4x80x128xf32, #tpu.memory_space<vmem>> -> memref<1x80x128xf32, #tpu.memory_space<vmem>>
      %dma_start3A_301 = tpu.memref_squeeze %dma_start3A_300 : memref<1x80x128xf32, #tpu.memory_space<vmem>> -> memref<80x128xf32, #tpu.memory_space<vmem>>
      %dma_start3A_302 = arith.constant 0 : i32
      %dma_start3A_303 = tpu.memref_slice %arg6[%add3A_125, %dma_start3A_302] : memref<10112x128xf32, #tpu.memory_space<vmem_shared>> -> memref<80x128xf32, #tpu.memory_space<vmem_shared>>
      %dma_start3A_304 = arith.constant 0 : i32
      %dma_start3A_305 = tpu.memref_slice %arg6[%add3A_125, %dma_start3A_304] : memref<10112x128xf32, #tpu.memory_space<vmem_shared>> -> memref<80x128xf32, #tpu.memory_space<vmem_shared>>
      %dma_start3A_306 = arith.constant 0 : i32
      %dma_start3A_307 = arith.constant 0 : i32
      %dma_start3A_308 = tpu.memref_slice %arg9[%run_scoped3A_126, %dma_start3A_306, %dma_start3A_307] : memref<4x80x128xf32, #tpu.memory_space<vmem>> -> memref<1x80x128xf32, #tpu.memory_space<vmem>>
      %dma_start3A_309 = tpu.memref_squeeze %dma_start3A_308 : memref<1x80x128xf32, #tpu.memory_space<vmem>> -> memref<80x128xf32, #tpu.memory_space<vmem>>
      tpu.enqueue_dma source(%dma_start3A_309 : memref<80x128xf32, #tpu.memory_space<vmem>>) target(%dma_start3A_305 : memref<80x128xf32, #tpu.memory_space<vmem_shared>>) target_semaphore(%run_scoped3A_297 : memref<!tpu.dma_semaphore, #tpu.memory_space<semaphore_mem>>)
      %dma_wait3A_310 = arith.constant 0 : i32
      %dma_wait3A_311 = arith.constant 0 : i32
      %dma_wait3A_312 = tpu.memref_slice %arg9[%run_scoped3A_126, %dma_wait3A_310, %dma_wait3A_311] : memref<4x80x128xf32, #tpu.memory_space<vmem>> -> memref<1x80x128xf32, #tpu.memory_space<vmem>>
      %dma_wait3A_313 = tpu.memref_squeeze %dma_wait3A_312 : memref<1x80x128xf32, #tpu.memory_space<vmem>> -> memref<80x128xf32, #tpu.memory_space<vmem>>
      %dma_wait3A_314 = arith.constant 0 : i32
      %dma_wait3A_315 = tpu.memref_slice %arg6[%add3A_125, %dma_wait3A_314] : memref<10112x128xf32, #tpu.memory_space<vmem_shared>> -> memref<80x128xf32, #tpu.memory_space<vmem_shared>>
      %dma_wait3A_316 = arith.constant 0 : i32
      %dma_wait3A_317 = tpu.memref_slice %arg6[%add3A_125, %dma_wait3A_316] : memref<10112x128xf32, #tpu.memory_space<vmem_shared>> -> memref<80x128xf32, #tpu.memory_space<vmem_shared>>
      %dma_wait3A_318 = arith.constant 0 : i32
      %dma_wait3A_319 = arith.constant 0 : i32
      %dma_wait3A_320 = tpu.memref_slice %arg9[%run_scoped3A_126, %dma_wait3A_318, %dma_wait3A_319] : memref<4x80x128xf32, #tpu.memory_space<vmem>> -> memref<1x80x128xf32, #tpu.memory_space<vmem>>
      %dma_wait3A_321 = tpu.memref_squeeze %dma_wait3A_320 : memref<1x80x128xf32, #tpu.memory_space<vmem>> -> memref<80x128xf32, #tpu.memory_space<vmem>>
      tpu.wait_dma2 semaphore(%run_scoped3A_297 : memref<!tpu.dma_semaphore, #tpu.memory_space<semaphore_mem>>) src(%dma_wait3A_321 : memref<80x128xf32, #tpu.memory_space<vmem>>) dst(%dma_wait3A_317 : memref<80x128xf32, #tpu.memory_space<vmem_shared>>)
      tpu.yield
    }) : () -> ()
    %mul3A_127 = arith.constant 632 : i32
    %mul3A_128 = arith.muli %arg1, %mul3A_127 : i32
    %add3A_129 = arith.constant 480 : i32
    %add3A_130 = arith.addi %mul3A_128, %add3A_129 : i32
    %run_scoped3A_131 = arith.constant 0 : i32
    "tpu.region"() ({
      %run_scoped3A_297 = tpu.sem_alloc : memref<!tpu.dma_semaphore, #tpu.memory_space<semaphore_mem>>
      %dma_start3A_298 = arith.constant 0 : i32
      %dma_start3A_299 = arith.constant 0 : i32
      %dma_start3A_300 = tpu.memref_slice %arg9[%run_scoped3A_131, %dma_start3A_298, %dma_start3A_299] : memref<4x80x128xf32, #tpu.memory_space<vmem>> -> memref<1x80x128xf32, #tpu.memory_space<vmem>>
      %dma_start3A_301 = tpu.memref_squeeze %dma_start3A_300 : memref<1x80x128xf32, #tpu.memory_space<vmem>> -> memref<80x128xf32, #tpu.memory_space<vmem>>
      %dma_start3A_302 = arith.constant 0 : i32
      %dma_start3A_303 = tpu.memref_slice %arg6[%add3A_130, %dma_start3A_302] : memref<10112x128xf32, #tpu.memory_space<vmem_shared>> -> memref<80x128xf32, #tpu.memory_space<vmem_shared>>
      %dma_start3A_304 = arith.constant 0 : i32
      %dma_start3A_305 = tpu.memref_slice %arg6[%add3A_130, %dma_start3A_304] : memref<10112x128xf32, #tpu.memory_space<vmem_shared>> -> memref<80x128xf32, #tpu.memory_space<vmem_shared>>
      %dma_start3A_306 = arith.constant 0 : i32
      %dma_start3A_307 = arith.constant 0 : i32
      %dma_start3A_308 = tpu.memref_slice %arg9[%run_scoped3A_131, %dma_start3A_306, %dma_start3A_307] : memref<4x80x128xf32, #tpu.memory_space<vmem>> -> memref<1x80x128xf32, #tpu.memory_space<vmem>>
      %dma_start3A_309 = tpu.memref_squeeze %dma_start3A_308 : memref<1x80x128xf32, #tpu.memory_space<vmem>> -> memref<80x128xf32, #tpu.memory_space<vmem>>
      tpu.enqueue_dma source(%dma_start3A_309 : memref<80x128xf32, #tpu.memory_space<vmem>>) target(%dma_start3A_305 : memref<80x128xf32, #tpu.memory_space<vmem_shared>>) target_semaphore(%run_scoped3A_297 : memref<!tpu.dma_semaphore, #tpu.memory_space<semaphore_mem>>)
      %dma_wait3A_310 = arith.constant 0 : i32
      %dma_wait3A_311 = arith.constant 0 : i32
      %dma_wait3A_312 = tpu.memref_slice %arg9[%run_scoped3A_131, %dma_wait3A_310, %dma_wait3A_311] : memref<4x80x128xf32, #tpu.memory_space<vmem>> -> memref<1x80x128xf32, #tpu.memory_space<vmem>>
      %dma_wait3A_313 = tpu.memref_squeeze %dma_wait3A_312 : memref<1x80x128xf32, #tpu.memory_space<vmem>> -> memref<80x128xf32, #tpu.memory_space<vmem>>
      %dma_wait3A_314 = arith.constant 0 : i32
      %dma_wait3A_315 = tpu.memref_slice %arg6[%add3A_130, %dma_wait3A_314] : memref<10112x128xf32, #tpu.memory_space<vmem_shared>> -> memref<80x128xf32, #tpu.memory_space<vmem_shared>>
      %dma_wait3A_316 = arith.constant 0 : i32
      %dma_wait3A_317 = tpu.memref_slice %arg6[%add3A_130, %dma_wait3A_316] : memref<10112x128xf32, #tpu.memory_space<vmem_shared>> -> memref<80x128xf32, #tpu.memory_space<vmem_shared>>
      %dma_wait3A_318 = arith.constant 0 : i32
      %dma_wait3A_319 = arith.constant 0 : i32
      %dma_wait3A_320 = tpu.memref_slice %arg9[%run_scoped3A_131, %dma_wait3A_318, %dma_wait3A_319] : memref<4x80x128xf32, #tpu.memory_space<vmem>> -> memref<1x80x128xf32, #tpu.memory_space<vmem>>
      %dma_wait3A_321 = tpu.memref_squeeze %dma_wait3A_320 : memref<1x80x128xf32, #tpu.memory_space<vmem>> -> memref<80x128xf32, #tpu.memory_space<vmem>>
      tpu.wait_dma2 semaphore(%run_scoped3A_297 : memref<!tpu.dma_semaphore, #tpu.memory_space<semaphore_mem>>) src(%dma_wait3A_321 : memref<80x128xf32, #tpu.memory_space<vmem>>) dst(%dma_wait3A_317 : memref<80x128xf32, #tpu.memory_space<vmem_shared>>)
      tpu.yield
    }) : () -> ()
    %mul3A_132 = arith.constant 632 : i32
    %mul3A_133 = arith.muli %arg1, %mul3A_132 : i32
    %add3A_134 = arith.constant 560 : i32
    %add3A_135 = arith.addi %mul3A_133, %add3A_134 : i32
    %run_scoped3A_136 = arith.constant 0 : i32
    "tpu.region"() ({
      %run_scoped3A_297 = tpu.sem_alloc : memref<!tpu.dma_semaphore, #tpu.memory_space<semaphore_mem>>
      %dma_start3A_298 = arith.constant 0 : i32
      %dma_start3A_299 = arith.constant 0 : i32
      %dma_start3A_300 = tpu.memref_slice %arg9[%run_scoped3A_136, %dma_start3A_298, %dma_start3A_299] : memref<4x80x128xf32, #tpu.memory_space<vmem>> -> memref<1x72x128xf32, #tpu.memory_space<vmem>>
      %dma_start3A_301 = tpu.memref_squeeze %dma_start3A_300 : memref<1x72x128xf32, #tpu.memory_space<vmem>> -> memref<72x128xf32, #tpu.memory_space<vmem>>
      %dma_start3A_302 = arith.constant 0 : i32
      %dma_start3A_303 = tpu.memref_slice %arg6[%add3A_135, %dma_start3A_302] : memref<10112x128xf32, #tpu.memory_space<vmem_shared>> -> memref<72x128xf32, #tpu.memory_space<vmem_shared>>
      %dma_start3A_304 = arith.constant 0 : i32
      %dma_start3A_305 = tpu.memref_slice %arg6[%add3A_135, %dma_start3A_304] : memref<10112x128xf32, #tpu.memory_space<vmem_shared>> -> memref<72x128xf32, #tpu.memory_space<vmem_shared>>
      %dma_start3A_306 = arith.constant 0 : i32
      %dma_start3A_307 = arith.constant 0 : i32
      %dma_start3A_308 = tpu.memref_slice %arg9[%run_scoped3A_136, %dma_start3A_306, %dma_start3A_307] : memref<4x80x128xf32, #tpu.memory_space<vmem>> -> memref<1x72x128xf32, #tpu.memory_space<vmem>>
      %dma_start3A_309 = tpu.memref_squeeze %dma_start3A_308 : memref<1x72x128xf32, #tpu.memory_space<vmem>> -> memref<72x128xf32, #tpu.memory_space<vmem>>
      tpu.enqueue_dma source(%dma_start3A_309 : memref<72x128xf32, #tpu.memory_space<vmem>>) target(%dma_start3A_305 : memref<72x128xf32, #tpu.memory_space<vmem_shared>>) target_semaphore(%run_scoped3A_297 : memref<!tpu.dma_semaphore, #tpu.memory_space<semaphore_mem>>)
      %dma_wait3A_310 = arith.constant 0 : i32
      %dma_wait3A_311 = arith.constant 0 : i32
      %dma_wait3A_312 = tpu.memref_slice %arg9[%run_scoped3A_136, %dma_wait3A_310, %dma_wait3A_311] : memref<4x80x128xf32, #tpu.memory_space<vmem>> -> memref<1x72x128xf32, #tpu.memory_space<vmem>>
      %dma_wait3A_313 = tpu.memref_squeeze %dma_wait3A_312 : memref<1x72x128xf32, #tpu.memory_space<vmem>> -> memref<72x128xf32, #tpu.memory_space<vmem>>
      %dma_wait3A_314 = arith.constant 0 : i32
      %dma_wait3A_315 = tpu.memref_slice %arg6[%add3A_135, %dma_wait3A_314] : memref<10112x128xf32, #tpu.memory_space<vmem_shared>> -> memref<72x128xf32, #tpu.memory_space<vmem_shared>>
      %dma_wait3A_316 = arith.constant 0 : i32
      %dma_wait3A_317 = tpu.memref_slice %arg6[%add3A_135, %dma_wait3A_316] : memref<10112x128xf32, #tpu.memory_space<vmem_shared>> -> memref<72x128xf32, #tpu.memory_space<vmem_shared>>
      %dma_wait3A_318 = arith.constant 0 : i32
      %dma_wait3A_319 = arith.constant 0 : i32
      %dma_wait3A_320 = tpu.memref_slice %arg9[%run_scoped3A_136, %dma_wait3A_318, %dma_wait3A_319] : memref<4x80x128xf32, #tpu.memory_space<vmem>> -> memref<1x72x128xf32, #tpu.memory_space<vmem>>
      %dma_wait3A_321 = tpu.memref_squeeze %dma_wait3A_320 : memref<1x72x128xf32, #tpu.memory_space<vmem>> -> memref<72x128xf32, #tpu.memory_space<vmem>>
      tpu.wait_dma2 semaphore(%run_scoped3A_297 : memref<!tpu.dma_semaphore, #tpu.memory_space<semaphore_mem>>) src(%dma_wait3A_321 : memref<72x128xf32, #tpu.memory_space<vmem>>) dst(%dma_wait3A_317 : memref<72x128xf32, #tpu.memory_space<vmem_shared>>)
      tpu.yield
    }) : () -> ()
    %barrier3A = arith.constant 0 : index
    tpu.barrier barrier_id(%barrier3A)
    %add3A_137 = arith.constant 0 : i32
    %add3A_138 = arith.addi %multiple_of3A, %add3A_137 : i32
    %multiple_of3A_139 = tpu.assume_multiple %add3A_138, 8 : i32
    %dma_wait3A = arith.constant 0 : i32
    %dma_wait3A_140 = arith.constant 0 : i32
    %dma_wait3A_141 = arith.constant 0 : i32
    %dma_wait3A_142 = tpu.memref_slice %arg7[%dma_wait3A, %dma_wait3A_141] : memref<4x80xi32, #tpu.memory_space<vmem>> -> memref<1x80xi32, #tpu.memory_space<vmem>>
    %dma_wait3A_143 = tpu.memref_squeeze %dma_wait3A_142 : memref<1x80xi32, #tpu.memory_space<vmem>> -> memref<80xi32, #tpu.memory_space<vmem>>
    %dma_wait3A_144 = tpu.memref_slice %arg3[%multiple_of3A_139] : memref<320000xi32, #tpu.memory_space<hbm>> -> memref<80xi32, #tpu.memory_space<hbm>>
    %dma_wait3A_145 = tpu.memref_slice %arg12[%dma_wait3A_140] : memref<4x!tpu.dma_semaphore, #tpu.memory_space<semaphore_mem>> -> memref<1x!tpu.dma_semaphore, #tpu.memory_space<semaphore_mem>>
    %dma_wait3A_146 = tpu.memref_squeeze %dma_wait3A_145 : memref<1x!tpu.dma_semaphore, #tpu.memory_space<semaphore_mem>> -> memref<!tpu.dma_semaphore, #tpu.memory_space<semaphore_mem>>
    %dma_wait3A_147 = arith.constant 0 : i32
    %dma_wait3A_148 = tpu.memref_slice %arg7[%dma_wait3A, %dma_wait3A_147] : memref<4x80xi32, #tpu.memory_space<vmem>> -> memref<1x80xi32, #tpu.memory_space<vmem>>
    %dma_wait3A_149 = tpu.memref_squeeze %dma_wait3A_148 : memref<1x80xi32, #tpu.memory_space<vmem>> -> memref<80xi32, #tpu.memory_space<vmem>>
    %dma_wait3A_150 = tpu.memref_slice %arg3[%multiple_of3A_139] : memref<320000xi32, #tpu.memory_space<hbm>> -> memref<80xi32, #tpu.memory_space<hbm>>
    tpu.wait_dma2 semaphore(%dma_wait3A_146 : memref<!tpu.dma_semaphore, #tpu.memory_space<semaphore_mem>>) src(%dma_wait3A_150 : memref<80xi32, #tpu.memory_space<hbm>>) dst(%dma_wait3A_149 : memref<80xi32, #tpu.memory_space<vmem>>)
    %add3A_151 = arith.constant 0 : i32
    %add3A_152 = arith.addi %multiple_of3A, %add3A_151 : i32
    %multiple_of3A_153 = tpu.assume_multiple %add3A_152, 8 : i32
    %dma_wait3A_154 = arith.constant 0 : i32
    %dma_wait3A_155 = arith.constant 0 : i32
    %dma_wait3A_156 = arith.constant 0 : i32
    %dma_wait3A_157 = tpu.memref_slice %arg8[%dma_wait3A_154, %dma_wait3A_156] : memref<4x80xi32, #tpu.memory_space<vmem>> -> memref<1x80xi32, #tpu.memory_space<vmem>>
    %dma_wait3A_158 = tpu.memref_squeeze %dma_wait3A_157 : memref<1x80xi32, #tpu.memory_space<vmem>> -> memref<80xi32, #tpu.memory_space<vmem>>
    %dma_wait3A_159 = tpu.memref_slice %arg4[%multiple_of3A_153] : memref<320000xi32, #tpu.memory_space<hbm>> -> memref<80xi32, #tpu.memory_space<hbm>>
    %dma_wait3A_160 = tpu.memref_slice %arg12[%dma_wait3A_155] : memref<4x!tpu.dma_semaphore, #tpu.memory_space<semaphore_mem>> -> memref<1x!tpu.dma_semaphore, #tpu.memory_space<semaphore_mem>>
    %dma_wait3A_161 = tpu.memref_squeeze %dma_wait3A_160 : memref<1x!tpu.dma_semaphore, #tpu.memory_space<semaphore_mem>> -> memref<!tpu.dma_semaphore, #tpu.memory_space<semaphore_mem>>
    %dma_wait3A_162 = arith.constant 0 : i32
    %dma_wait3A_163 = tpu.memref_slice %arg8[%dma_wait3A_154, %dma_wait3A_162] : memref<4x80xi32, #tpu.memory_space<vmem>> -> memref<1x80xi32, #tpu.memory_space<vmem>>
    %dma_wait3A_164 = tpu.memref_squeeze %dma_wait3A_163 : memref<1x80xi32, #tpu.memory_space<vmem>> -> memref<80xi32, #tpu.memory_space<vmem>>
    %dma_wait3A_165 = tpu.memref_slice %arg4[%multiple_of3A_153] : memref<320000xi32, #tpu.memory_space<hbm>> -> memref<80xi32, #tpu.memory_space<hbm>>
    tpu.wait_dma2 semaphore(%dma_wait3A_161 : memref<!tpu.dma_semaphore, #tpu.memory_space<semaphore_mem>>) src(%dma_wait3A_165 : memref<80xi32, #tpu.memory_space<hbm>>) dst(%dma_wait3A_164 : memref<80xi32, #tpu.memory_space<vmem>>)
    %dma_start3A_166 = arith.constant 0 : i32
    %dma_start3A_167 = arith.constant 0 : i32
    %dma_start3A_168 = arith.constant 0 : i32
    %dma_start3A_169 = arith.constant 0 : i32
    %dma_start3A_170 = arith.constant 0 : i32
    %dma_start3A_171 = tpu.memref_slice %arg9[%dma_start3A_167, %dma_start3A_169, %dma_start3A_170] : memref<4x80x128xf32, #tpu.memory_space<vmem>> -> memref<1x80x128xf32, #tpu.memory_space<vmem>>
    %dma_start3A_172 = tpu.memref_squeeze %dma_start3A_171 : memref<1x80x128xf32, #tpu.memory_space<vmem>> -> memref<80x128xf32, #tpu.memory_space<vmem>>
    %dma_start3A_173 = arith.constant 0 : i32
    %dma_start3A_174 = tpu.memref_slice %arg7[%dma_start3A_166, %dma_start3A_173] : memref<4x80xi32, #tpu.memory_space<vmem>> -> memref<1x80xi32, #tpu.memory_space<vmem>>
    %dma_start3A_175 = tpu.memref_squeeze %dma_start3A_174 : memref<1x80xi32, #tpu.memory_space<vmem>> -> memref<80xi32, #tpu.memory_space<vmem>>
    %dma_start3A_176 = arith.constant 0 : i32
    %dma_start3A_177 = arith.constant 0 : i32
    %dma_start3A_178 = tpu.memref_slice %arg2[%dma_start3A_176, %dma_start3A_177] : memref<10000x128xf32, #tpu.memory_space<hbm>> -> memref<10000x128xf32, #tpu.memory_space<hbm>>
    %dma_start3A_179 = tpu.memref_slice %arg10[%dma_start3A_168] : memref<4x!tpu.dma_semaphore, #tpu.memory_space<semaphore_mem>> -> memref<1x!tpu.dma_semaphore, #tpu.memory_space<semaphore_mem>>
    %dma_start3A_180 = tpu.memref_squeeze %dma_start3A_179 : memref<1x!tpu.dma_semaphore, #tpu.memory_space<semaphore_mem>> -> memref<!tpu.dma_semaphore, #tpu.memory_space<semaphore_mem>>
    tpu.enqueue_indirect_dma source(%dma_start3A_178 : memref<10000x128xf32, #tpu.memory_space<hbm>>) target(%dma_start3A_172 : memref<80x128xf32, #tpu.memory_space<vmem>>) offsets(%dma_start3A_175 : memref<80xi32, #tpu.memory_space<vmem>>) semaphore(%dma_start3A_180 : memref<!tpu.dma_semaphore, #tpu.memory_space<semaphore_mem>>)
    %add3A_181 = arith.constant 80 : i32
    %add3A_182 = arith.addi %multiple_of3A, %add3A_181 : i32
    %multiple_of3A_183 = tpu.assume_multiple %add3A_182, 8 : i32
    %dma_wait3A_184 = arith.constant 1 : i32
    %dma_wait3A_185 = arith.constant 1 : i32
    %dma_wait3A_186 = arith.constant 0 : i32
    %dma_wait3A_187 = tpu.memref_slice %arg7[%dma_wait3A_184, %dma_wait3A_186] : memref<4x80xi32, #tpu.memory_space<vmem>> -> memref<1x80xi32, #tpu.memory_space<vmem>>
    %dma_wait3A_188 = tpu.memref_squeeze %dma_wait3A_187 : memref<1x80xi32, #tpu.memory_space<vmem>> -> memref<80xi32, #tpu.memory_space<vmem>>
    %dma_wait3A_189 = tpu.memref_slice %arg3[%multiple_of3A_183] : memref<320000xi32, #tpu.memory_space<hbm>> -> memref<80xi32, #tpu.memory_space<hbm>>
    %dma_wait3A_190 = tpu.memref_slice %arg12[%dma_wait3A_185] : memref<4x!tpu.dma_semaphore, #tpu.memory_space<semaphore_mem>> -> memref<1x!tpu.dma_semaphore, #tpu.memory_space<semaphore_mem>>
    %dma_wait3A_191 = tpu.memref_squeeze %dma_wait3A_190 : memref<1x!tpu.dma_semaphore, #tpu.memory_space<semaphore_mem>> -> memref<!tpu.dma_semaphore, #tpu.memory_space<semaphore_mem>>
    %dma_wait3A_192 = arith.constant 0 : i32
    %dma_wait3A_193 = tpu.memref_slice %arg7[%dma_wait3A_184, %dma_wait3A_192] : memref<4x80xi32, #tpu.memory_space<vmem>> -> memref<1x80xi32, #tpu.memory_space<vmem>>
    %dma_wait3A_194 = tpu.memref_squeeze %dma_wait3A_193 : memref<1x80xi32, #tpu.memory_space<vmem>> -> memref<80xi32, #tpu.memory_space<vmem>>
    %dma_wait3A_195 = tpu.memref_slice %arg3[%multiple_of3A_183] : memref<320000xi32, #tpu.memory_space<hbm>> -> memref<80xi32, #tpu.memory_space<hbm>>
    tpu.wait_dma2 semaphore(%dma_wait3A_191 : memref<!tpu.dma_semaphore, #tpu.memory_space<semaphore_mem>>) src(%dma_wait3A_195 : memref<80xi32, #tpu.memory_space<hbm>>) dst(%dma_wait3A_194 : memref<80xi32, #tpu.memory_space<vmem>>)
    %add3A_196 = arith.constant 80 : i32
    %add3A_197 = arith.addi %multiple_of3A, %add3A_196 : i32
    %multiple_of3A_198 = tpu.assume_multiple %add3A_197, 8 : i32
    %dma_wait3A_199 = arith.constant 1 : i32
    %dma_wait3A_200 = arith.constant 1 : i32
    %dma_wait3A_201 = arith.constant 0 : i32
    %dma_wait3A_202 = tpu.memref_slice %arg8[%dma_wait3A_199, %dma_wait3A_201] : memref<4x80xi32, #tpu.memory_space<vmem>> -> memref<1x80xi32, #tpu.memory_space<vmem>>
    %dma_wait3A_203 = tpu.memref_squeeze %dma_wait3A_202 : memref<1x80xi32, #tpu.memory_space<vmem>> -> memref<80xi32, #tpu.memory_space<vmem>>
    %dma_wait3A_204 = tpu.memref_slice %arg4[%multiple_of3A_198] : memref<320000xi32, #tpu.memory_space<hbm>> -> memref<80xi32, #tpu.memory_space<hbm>>
    %dma_wait3A_205 = tpu.memref_slice %arg12[%dma_wait3A_200] : memref<4x!tpu.dma_semaphore, #tpu.memory_space<semaphore_mem>> -> memref<1x!tpu.dma_semaphore, #tpu.memory_space<semaphore_mem>>
    %dma_wait3A_206 = tpu.memref_squeeze %dma_wait3A_205 : memref<1x!tpu.dma_semaphore, #tpu.memory_space<semaphore_mem>> -> memref<!tpu.dma_semaphore, #tpu.memory_space<semaphore_mem>>
    %dma_wait3A_207 = arith.constant 0 : i32
    %dma_wait3A_208 = tpu.memref_slice %arg8[%dma_wait3A_199, %dma_wait3A_207] : memref<4x80xi32, #tpu.memory_space<vmem>> -> memref<1x80xi32, #tpu.memory_space<vmem>>
    %dma_wait3A_209 = tpu.memref_squeeze %dma_wait3A_208 : memref<1x80xi32, #tpu.memory_space<vmem>> -> memref<80xi32, #tpu.memory_space<vmem>>
    %dma_wait3A_210 = tpu.memref_slice %arg4[%multiple_of3A_198] : memref<320000xi32, #tpu.memory_space<hbm>> -> memref<80xi32, #tpu.memory_space<hbm>>
    tpu.wait_dma2 semaphore(%dma_wait3A_206 : memref<!tpu.dma_semaphore, #tpu.memory_space<semaphore_mem>>) src(%dma_wait3A_210 : memref<80xi32, #tpu.memory_space<hbm>>) dst(%dma_wait3A_209 : memref<80xi32, #tpu.memory_space<vmem>>)
    %dma_start3A_211 = arith.constant 1 : i32
    %dma_start3A_212 = arith.constant 1 : i32
    %dma_start3A_213 = arith.constant 1 : i32
    %dma_start3A_214 = arith.constant 0 : i32
    %dma_start3A_215 = arith.constant 0 : i32
    %dma_start3A_216 = tpu.memref_slice %arg9[%dma_start3A_212, %dma_start3A_214, %dma_start3A_215] : memref<4x80x128xf32, #tpu.memory_space<vmem>> -> memref<1x80x128xf32, #tpu.memory_space<vmem>>
    %dma_start3A_217 = tpu.memref_squeeze %dma_start3A_216 : memref<1x80x128xf32, #tpu.memory_space<vmem>> -> memref<80x128xf32, #tpu.memory_space<vmem>>
    %dma_start3A_218 = arith.constant 0 : i32
    %dma_start3A_219 = tpu.memref_slice %arg7[%dma_start3A_211, %dma_start3A_218] : memref<4x80xi32, #tpu.memory_space<vmem>> -> memref<1x80xi32, #tpu.memory_space<vmem>>
    %dma_start3A_220 = tpu.memref_squeeze %dma_start3A_219 : memref<1x80xi32, #tpu.memory_space<vmem>> -> memref<80xi32, #tpu.memory_space<vmem>>
    %dma_start3A_221 = arith.constant 0 : i32
    %dma_start3A_222 = arith.constant 0 : i32
    %dma_start3A_223 = tpu.memref_slice %arg2[%dma_start3A_221, %dma_start3A_222] : memref<10000x128xf32, #tpu.memory_space<hbm>> -> memref<10000x128xf32, #tpu.memory_space<hbm>>
    %dma_start3A_224 = tpu.memref_slice %arg10[%dma_start3A_213] : memref<4x!tpu.dma_semaphore, #tpu.memory_space<semaphore_mem>> -> memref<1x!tpu.dma_semaphore, #tpu.memory_space<semaphore_mem>>
    %dma_start3A_225 = tpu.memref_squeeze %dma_start3A_224 : memref<1x!tpu.dma_semaphore, #tpu.memory_space<semaphore_mem>> -> memref<!tpu.dma_semaphore, #tpu.memory_space<semaphore_mem>>
    tpu.enqueue_indirect_dma source(%dma_start3A_223 : memref<10000x128xf32, #tpu.memory_space<hbm>>) target(%dma_start3A_217 : memref<80x128xf32, #tpu.memory_space<vmem>>) offsets(%dma_start3A_220 : memref<80xi32, #tpu.memory_space<vmem>>) semaphore(%dma_start3A_225 : memref<!tpu.dma_semaphore, #tpu.memory_space<semaphore_mem>>)
    %scan3A_226 = arith.constant 0 : i32
    %scan3A_227 = arith.constant 0 : i32
    %scan3A_228 = arith.constant 125 : i32
    %scan3A_229 = arith.addi %scan3A_227, %scan3A_228 : i32
    %scan3A_230 = arith.constant 1 : i32
    scf.for %scan3A_297 = %scan3A_227 to %scan3A_229 step %scan3A_230  : i32 {
      %rem3A = arith.constant 4 : i32
      %rem3A_298 = arith.remsi %scan3A_297, %rem3A : i32
      %dma_wait3A_299 = arith.constant 0 : i32
      %dma_wait3A_300 = arith.constant 0 : i32
      %dma_wait3A_301 = tpu.memref_slice %arg9[%rem3A_298, %dma_wait3A_299, %dma_wait3A_300] : memref<4x80x128xf32, #tpu.memory_space<vmem>> -> memref<1x80x128xf32, #tpu.memory_space<vmem>>
      %dma_wait3A_302 = tpu.memref_squeeze %dma_wait3A_301 : memref<1x80x128xf32, #tpu.memory_space<vmem>> -> memref<80x128xf32, #tpu.memory_space<vmem>>
      %dma_wait3A_303 = arith.constant 0 : i32
      %dma_wait3A_304 = tpu.memref_slice %arg7[%rem3A_298, %dma_wait3A_303] : memref<4x80xi32, #tpu.memory_space<vmem>> -> memref<1x80xi32, #tpu.memory_space<vmem>>
      %dma_wait3A_305 = tpu.memref_squeeze %dma_wait3A_304 : memref<1x80xi32, #tpu.memory_space<vmem>> -> memref<80xi32, #tpu.memory_space<vmem>>
      %dma_wait3A_306 = arith.constant 0 : i32
      %dma_wait3A_307 = arith.constant 0 : i32
      %dma_wait3A_308 = tpu.memref_slice %arg2[%dma_wait3A_306, %dma_wait3A_307] : memref<10000x128xf32, #tpu.memory_space<hbm>> -> memref<10000x128xf32, #tpu.memory_space<hbm>>
      %dma_wait3A_309 = tpu.memref_slice %arg10[%rem3A_298] : memref<4x!tpu.dma_semaphore, #tpu.memory_space<semaphore_mem>> -> memref<1x!tpu.dma_semaphore, #tpu.memory_space<semaphore_mem>>
      %dma_wait3A_310 = tpu.memref_squeeze %dma_wait3A_309 : memref<1x!tpu.dma_semaphore, #tpu.memory_space<semaphore_mem>> -> memref<!tpu.dma_semaphore, #tpu.memory_space<semaphore_mem>>
      tpu.wait_indirect_dma semaphore(%dma_wait3A_310 : memref<!tpu.dma_semaphore, #tpu.memory_space<semaphore_mem>>) src(%dma_wait3A_308 : memref<10000x128xf32, #tpu.memory_space<hbm>>) dst(%dma_wait3A_302 : memref<80x128xf32, #tpu.memory_space<vmem>>)
      %dma_start3A_311 = arith.constant 0 : i32
      %dma_start3A_312 = arith.constant 0 : i32
      %dma_start3A_313 = tpu.memref_slice %arg9[%rem3A_298, %dma_start3A_311, %dma_start3A_312] : memref<4x80x128xf32, #tpu.memory_space<vmem>> -> memref<1x80x128xf32, #tpu.memory_space<vmem>>
      %dma_start3A_314 = tpu.memref_squeeze %dma_start3A_313 : memref<1x80x128xf32, #tpu.memory_space<vmem>> -> memref<80x128xf32, #tpu.memory_space<vmem>>
      %dma_start3A_315 = arith.constant 0 : i32
      %dma_start3A_316 = tpu.memref_slice %arg8[%rem3A_298, %dma_start3A_315] : memref<4x80xi32, #tpu.memory_space<vmem>> -> memref<1x80xi32, #tpu.memory_space<vmem>>
      %dma_start3A_317 = tpu.memref_squeeze %dma_start3A_316 : memref<1x80xi32, #tpu.memory_space<vmem>> -> memref<80xi32, #tpu.memory_space<vmem>>
      %dma_start3A_318 = arith.constant 0 : i32
      %dma_start3A_319 = arith.constant 0 : i32
      %dma_start3A_320 = tpu.memref_slice %arg6[%dma_start3A_318, %dma_start3A_319] : memref<10112x128xf32, #tpu.memory_space<vmem_shared>> -> memref<10112x128xf32, #tpu.memory_space<vmem_shared>>
      %dma_start3A_321 = tpu.memref_slice %arg11[%rem3A_298] : memref<4x!tpu.dma_semaphore, #tpu.memory_space<semaphore_mem>> -> memref<1x!tpu.dma_semaphore, #tpu.memory_space<semaphore_mem>>
      %dma_start3A_322 = tpu.memref_squeeze %dma_start3A_321 : memref<1x!tpu.dma_semaphore, #tpu.memory_space<semaphore_mem>> -> memref<!tpu.dma_semaphore, #tpu.memory_space<semaphore_mem>>
      tpu.enqueue_indirect_dma source(%dma_start3A_314 : memref<80x128xf32, #tpu.memory_space<vmem>>) target(%dma_start3A_320 : memref<10112x128xf32, #tpu.memory_space<vmem_shared>>) offsets(%dma_start3A_317 : memref<80xi32, #tpu.memory_space<vmem>>) semaphore(%dma_start3A_322 : memref<!tpu.dma_semaphore, #tpu.memory_space<semaphore_mem>>) {add = true}
      %add3A_323 = arith.constant 3 : i32
      %add3A_324 = arith.addi %scan3A_297, %add3A_323 : i32
      %lt3A = arith.constant 125 : i32
      %lt3A_325 = arith.cmpi slt, %add3A_324, %lt3A : i32
      %convert_element_type3A = arith.extui %lt3A_325 : i1 to i32
      %cond3A = arith.constant 0 : i32
      %cond3A_326 = arith.cmpi ne, %convert_element_type3A, %cond3A : i32
      scf.if %cond3A_326 {
        %add3A_334 = arith.constant 3 : i32
        %add3A_335 = arith.addi %scan3A_297, %add3A_334 : i32
        %rem3A_336 = arith.constant 4 : i32
        %rem3A_337 = arith.remsi %add3A_335, %rem3A_336 : i32
        %ge3A = arith.constant 1 : i32
        %ge3A_338 = arith.cmpi sge, %scan3A_297, %ge3A : i32
        %convert_element_type3A_339 = arith.extui %ge3A_338 : i1 to i32
        %cond3A_340 = arith.constant 0 : i32
        %cond3A_341 = arith.cmpi ne, %convert_element_type3A_339, %cond3A_340 : i32
        scf.if %cond3A_341 {
          %dma_wait3A_372 = arith.constant 0 : i32
          %dma_wait3A_373 = arith.constant 0 : i32
          %dma_wait3A_374 = tpu.memref_slice %arg9[%rem3A_337, %dma_wait3A_372, %dma_wait3A_373] : memref<4x80x128xf32, #tpu.memory_space<vmem>> -> memref<1x80x128xf32, #tpu.memory_space<vmem>>
          %dma_wait3A_375 = tpu.memref_squeeze %dma_wait3A_374 : memref<1x80x128xf32, #tpu.memory_space<vmem>> -> memref<80x128xf32, #tpu.memory_space<vmem>>
          %dma_wait3A_376 = arith.constant 0 : i32
          %dma_wait3A_377 = tpu.memref_slice %arg8[%rem3A_337, %dma_wait3A_376] : memref<4x80xi32, #tpu.memory_space<vmem>> -> memref<1x80xi32, #tpu.memory_space<vmem>>
          %dma_wait3A_378 = tpu.memref_squeeze %dma_wait3A_377 : memref<1x80xi32, #tpu.memory_space<vmem>> -> memref<80xi32, #tpu.memory_space<vmem>>
          %dma_wait3A_379 = arith.constant 0 : i32
          %dma_wait3A_380 = arith.constant 0 : i32
          %dma_wait3A_381 = tpu.memref_slice %arg6[%dma_wait3A_379, %dma_wait3A_380] : memref<10112x128xf32, #tpu.memory_space<vmem_shared>> -> memref<10112x128xf32, #tpu.memory_space<vmem_shared>>
          %dma_wait3A_382 = tpu.memref_slice %arg11[%rem3A_337] : memref<4x!tpu.dma_semaphore, #tpu.memory_space<semaphore_mem>> -> memref<1x!tpu.dma_semaphore, #tpu.memory_space<semaphore_mem>>
          %dma_wait3A_383 = tpu.memref_squeeze %dma_wait3A_382 : memref<1x!tpu.dma_semaphore, #tpu.memory_space<semaphore_mem>> -> memref<!tpu.dma_semaphore, #tpu.memory_space<semaphore_mem>>
          tpu.wait_indirect_dma semaphore(%dma_wait3A_383 : memref<!tpu.dma_semaphore, #tpu.memory_space<semaphore_mem>>) src(%dma_wait3A_375 : memref<80x128xf32, #tpu.memory_space<vmem>>) dst(%dma_wait3A_381 : memref<10112x128xf32, #tpu.memory_space<vmem_shared>>)
        } else {
        }
        %add3A_342 = arith.constant 3 : i32
        %add3A_343 = arith.addi %scan3A_297, %add3A_342 : i32
        %mul3A_344 = arith.constant 80 : i32
        %mul3A_345 = arith.muli %add3A_343, %mul3A_344 : i32
        %add3A_346 = arith.addi %multiple_of3A, %mul3A_345 : i32
        %multiple_of3A_347 = tpu.assume_multiple %add3A_346, 8 : i32
        %dma_start3A_348 = arith.constant 0 : i32
        %dma_start3A_349 = tpu.memref_slice %arg7[%rem3A_337, %dma_start3A_348] : memref<4x80xi32, #tpu.memory_space<vmem>> -> memref<1x80xi32, #tpu.memory_space<vmem>>
        %dma_start3A_350 = tpu.memref_squeeze %dma_start3A_349 : memref<1x80xi32, #tpu.memory_space<vmem>> -> memref<80xi32, #tpu.memory_space<vmem>>
        %dma_start3A_351 = tpu.memref_slice %arg3[%multiple_of3A_347] : memref<320000xi32, #tpu.memory_space<hbm>> -> memref<80xi32, #tpu.memory_space<hbm>>
        %dma_start3A_352 = tpu.memref_slice %arg12[%rem3A_337] : memref<4x!tpu.dma_semaphore, #tpu.memory_space<semaphore_mem>> -> memref<1x!tpu.dma_semaphore, #tpu.memory_space<semaphore_mem>>
        %dma_start3A_353 = tpu.memref_squeeze %dma_start3A_352 : memref<1x!tpu.dma_semaphore, #tpu.memory_space<semaphore_mem>> -> memref<!tpu.dma_semaphore, #tpu.memory_space<semaphore_mem>>
        %dma_start3A_354 = arith.constant 0 : i32
        %dma_start3A_355 = tpu.memref_slice %arg7[%rem3A_337, %dma_start3A_354] : memref<4x80xi32, #tpu.memory_space<vmem>> -> memref<1x80xi32, #tpu.memory_space<vmem>>
        %dma_start3A_356 = tpu.memref_squeeze %dma_start3A_355 : memref<1x80xi32, #tpu.memory_space<vmem>> -> memref<80xi32, #tpu.memory_space<vmem>>
        %dma_start3A_357 = tpu.memref_slice %arg3[%multiple_of3A_347] : memref<320000xi32, #tpu.memory_space<hbm>> -> memref<80xi32, #tpu.memory_space<hbm>>
        tpu.enqueue_dma source(%dma_start3A_357 : memref<80xi32, #tpu.memory_space<hbm>>) target(%dma_start3A_356 : memref<80xi32, #tpu.memory_space<vmem>>) target_semaphore(%dma_start3A_353 : memref<!tpu.dma_semaphore, #tpu.memory_space<semaphore_mem>>)
        %mul3A_358 = arith.constant 80 : i32
        %mul3A_359 = arith.muli %add3A_343, %mul3A_358 : i32
        %add3A_360 = arith.addi %multiple_of3A, %mul3A_359 : i32
        %multiple_of3A_361 = tpu.assume_multiple %add3A_360, 8 : i32
        %dma_start3A_362 = arith.constant 0 : i32
        %dma_start3A_363 = tpu.memref_slice %arg8[%rem3A_337, %dma_start3A_362] : memref<4x80xi32, #tpu.memory_space<vmem>> -> memref<1x80xi32, #tpu.memory_space<vmem>>
        %dma_start3A_364 = tpu.memref_squeeze %dma_start3A_363 : memref<1x80xi32, #tpu.memory_space<vmem>> -> memref<80xi32, #tpu.memory_space<vmem>>
        %dma_start3A_365 = tpu.memref_slice %arg4[%multiple_of3A_361] : memref<320000xi32, #tpu.memory_space<hbm>> -> memref<80xi32, #tpu.memory_space<hbm>>
        %dma_start3A_366 = tpu.memref_slice %arg12[%rem3A_337] : memref<4x!tpu.dma_semaphore, #tpu.memory_space<semaphore_mem>> -> memref<1x!tpu.dma_semaphore, #tpu.memory_space<semaphore_mem>>
        %dma_start3A_367 = tpu.memref_squeeze %dma_start3A_366 : memref<1x!tpu.dma_semaphore, #tpu.memory_space<semaphore_mem>> -> memref<!tpu.dma_semaphore, #tpu.memory_space<semaphore_mem>>
        %dma_start3A_368 = arith.constant 0 : i32
        %dma_start3A_369 = tpu.memref_slice %arg8[%rem3A_337, %dma_start3A_368] : memref<4x80xi32, #tpu.memory_space<vmem>> -> memref<1x80xi32, #tpu.memory_space<vmem>>
        %dma_start3A_370 = tpu.memref_squeeze %dma_start3A_369 : memref<1x80xi32, #tpu.memory_space<vmem>> -> memref<80xi32, #tpu.memory_space<vmem>>
        %dma_start3A_371 = tpu.memref_slice %arg4[%multiple_of3A_361] : memref<320000xi32, #tpu.memory_space<hbm>> -> memref<80xi32, #tpu.memory_space<hbm>>
        tpu.enqueue_dma source(%dma_start3A_371 : memref<80xi32, #tpu.memory_space<hbm>>) target(%dma_start3A_370 : memref<80xi32, #tpu.memory_space<vmem>>) target_semaphore(%dma_start3A_367 : memref<!tpu.dma_semaphore, #tpu.memory_space<semaphore_mem>>)
      } else {
      }
      %add3A_327 = arith.constant 2 : i32
      %add3A_328 = arith.addi %scan3A_297, %add3A_327 : i32
      %lt3A_329 = arith.constant 125 : i32
      %lt3A_330 = arith.cmpi slt, %add3A_328, %lt3A_329 : i32
      %convert_element_type3A_331 = arith.extui %lt3A_330 : i1 to i32
      %cond3A_332 = arith.constant 0 : i32
      %cond3A_333 = arith.cmpi ne, %convert_element_type3A_331, %cond3A_332 : i32
      scf.if %cond3A_333 {
        %add3A_334 = arith.constant 2 : i32
        %add3A_335 = arith.addi %scan3A_297, %add3A_334 : i32
        %rem3A_336 = arith.constant 4 : i32
        %rem3A_337 = arith.remsi %add3A_335, %rem3A_336 : i32
        %add3A_338 = arith.constant 2 : i32
        %add3A_339 = arith.addi %scan3A_297, %add3A_338 : i32
        %mul3A_340 = arith.constant 80 : i32
        %mul3A_341 = arith.muli %add3A_339, %mul3A_340 : i32
        %add3A_342 = arith.addi %multiple_of3A, %mul3A_341 : i32
        %multiple_of3A_343 = tpu.assume_multiple %add3A_342, 8 : i32
        %dma_wait3A_344 = arith.constant 0 : i32
        %dma_wait3A_345 = tpu.memref_slice %arg7[%rem3A_337, %dma_wait3A_344] : memref<4x80xi32, #tpu.memory_space<vmem>> -> memref<1x80xi32, #tpu.memory_space<vmem>>
        %dma_wait3A_346 = tpu.memref_squeeze %dma_wait3A_345 : memref<1x80xi32, #tpu.memory_space<vmem>> -> memref<80xi32, #tpu.memory_space<vmem>>
        %dma_wait3A_347 = tpu.memref_slice %arg3[%multiple_of3A_343] : memref<320000xi32, #tpu.memory_space<hbm>> -> memref<80xi32, #tpu.memory_space<hbm>>
        %dma_wait3A_348 = tpu.memref_slice %arg12[%rem3A_337] : memref<4x!tpu.dma_semaphore, #tpu.memory_space<semaphore_mem>> -> memref<1x!tpu.dma_semaphore, #tpu.memory_space<semaphore_mem>>
        %dma_wait3A_349 = tpu.memref_squeeze %dma_wait3A_348 : memref<1x!tpu.dma_semaphore, #tpu.memory_space<semaphore_mem>> -> memref<!tpu.dma_semaphore, #tpu.memory_space<semaphore_mem>>
        %dma_wait3A_350 = arith.constant 0 : i32
        %dma_wait3A_351 = tpu.memref_slice %arg7[%rem3A_337, %dma_wait3A_350] : memref<4x80xi32, #tpu.memory_space<vmem>> -> memref<1x80xi32, #tpu.memory_space<vmem>>
        %dma_wait3A_352 = tpu.memref_squeeze %dma_wait3A_351 : memref<1x80xi32, #tpu.memory_space<vmem>> -> memref<80xi32, #tpu.memory_space<vmem>>
        %dma_wait3A_353 = tpu.memref_slice %arg3[%multiple_of3A_343] : memref<320000xi32, #tpu.memory_space<hbm>> -> memref<80xi32, #tpu.memory_space<hbm>>
        tpu.wait_dma2 semaphore(%dma_wait3A_349 : memref<!tpu.dma_semaphore, #tpu.memory_space<semaphore_mem>>) src(%dma_wait3A_353 : memref<80xi32, #tpu.memory_space<hbm>>) dst(%dma_wait3A_352 : memref<80xi32, #tpu.memory_space<vmem>>)
        %mul3A_354 = arith.constant 80 : i32
        %mul3A_355 = arith.muli %add3A_339, %mul3A_354 : i32
        %add3A_356 = arith.addi %multiple_of3A, %mul3A_355 : i32
        %multiple_of3A_357 = tpu.assume_multiple %add3A_356, 8 : i32
        %dma_wait3A_358 = arith.constant 0 : i32
        %dma_wait3A_359 = tpu.memref_slice %arg8[%rem3A_337, %dma_wait3A_358] : memref<4x80xi32, #tpu.memory_space<vmem>> -> memref<1x80xi32, #tpu.memory_space<vmem>>
        %dma_wait3A_360 = tpu.memref_squeeze %dma_wait3A_359 : memref<1x80xi32, #tpu.memory_space<vmem>> -> memref<80xi32, #tpu.memory_space<vmem>>
        %dma_wait3A_361 = tpu.memref_slice %arg4[%multiple_of3A_357] : memref<320000xi32, #tpu.memory_space<hbm>> -> memref<80xi32, #tpu.memory_space<hbm>>
        %dma_wait3A_362 = tpu.memref_slice %arg12[%rem3A_337] : memref<4x!tpu.dma_semaphore, #tpu.memory_space<semaphore_mem>> -> memref<1x!tpu.dma_semaphore, #tpu.memory_space<semaphore_mem>>
        %dma_wait3A_363 = tpu.memref_squeeze %dma_wait3A_362 : memref<1x!tpu.dma_semaphore, #tpu.memory_space<semaphore_mem>> -> memref<!tpu.dma_semaphore, #tpu.memory_space<semaphore_mem>>
        %dma_wait3A_364 = arith.constant 0 : i32
        %dma_wait3A_365 = tpu.memref_slice %arg8[%rem3A_337, %dma_wait3A_364] : memref<4x80xi32, #tpu.memory_space<vmem>> -> memref<1x80xi32, #tpu.memory_space<vmem>>
        %dma_wait3A_366 = tpu.memref_squeeze %dma_wait3A_365 : memref<1x80xi32, #tpu.memory_space<vmem>> -> memref<80xi32, #tpu.memory_space<vmem>>
        %dma_wait3A_367 = tpu.memref_slice %arg4[%multiple_of3A_357] : memref<320000xi32, #tpu.memory_space<hbm>> -> memref<80xi32, #tpu.memory_space<hbm>>
        tpu.wait_dma2 semaphore(%dma_wait3A_363 : memref<!tpu.dma_semaphore, #tpu.memory_space<semaphore_mem>>) src(%dma_wait3A_367 : memref<80xi32, #tpu.memory_space<hbm>>) dst(%dma_wait3A_366 : memref<80xi32, #tpu.memory_space<vmem>>)
        %add3A_368 = arith.constant 2 : i32
        %add3A_369 = arith.addi %scan3A_297, %add3A_368 : i32
        %dma_start3A_370 = arith.constant 0 : i32
        %dma_start3A_371 = arith.constant 0 : i32
        %dma_start3A_372 = tpu.memref_slice %arg9[%rem3A_337, %dma_start3A_370, %dma_start3A_371] : memref<4x80x128xf32, #tpu.memory_space<vmem>> -> memref<1x80x128xf32, #tpu.memory_space<vmem>>
        %dma_start3A_373 = tpu.memref_squeeze %dma_start3A_372 : memref<1x80x128xf32, #tpu.memory_space<vmem>> -> memref<80x128xf32, #tpu.memory_space<vmem>>
        %dma_start3A_374 = arith.constant 0 : i32
        %dma_start3A_375 = tpu.memref_slice %arg7[%rem3A_337, %dma_start3A_374] : memref<4x80xi32, #tpu.memory_space<vmem>> -> memref<1x80xi32, #tpu.memory_space<vmem>>
        %dma_start3A_376 = tpu.memref_squeeze %dma_start3A_375 : memref<1x80xi32, #tpu.memory_space<vmem>> -> memref<80xi32, #tpu.memory_space<vmem>>
        %dma_start3A_377 = arith.constant 0 : i32
        %dma_start3A_378 = arith.constant 0 : i32
        %dma_start3A_379 = tpu.memref_slice %arg2[%dma_start3A_377, %dma_start3A_378] : memref<10000x128xf32, #tpu.memory_space<hbm>> -> memref<10000x128xf32, #tpu.memory_space<hbm>>
        %dma_start3A_380 = tpu.memref_slice %arg10[%rem3A_337] : memref<4x!tpu.dma_semaphore, #tpu.memory_space<semaphore_mem>> -> memref<1x!tpu.dma_semaphore, #tpu.memory_space<semaphore_mem>>
        %dma_start3A_381 = tpu.memref_squeeze %dma_start3A_380 : memref<1x!tpu.dma_semaphore, #tpu.memory_space<semaphore_mem>> -> memref<!tpu.dma_semaphore, #tpu.memory_space<semaphore_mem>>
        tpu.enqueue_indirect_dma source(%dma_start3A_379 : memref<10000x128xf32, #tpu.memory_space<hbm>>) target(%dma_start3A_373 : memref<80x128xf32, #tpu.memory_space<vmem>>) offsets(%dma_start3A_376 : memref<80xi32, #tpu.memory_space<vmem>>) semaphore(%dma_start3A_381 : memref<!tpu.dma_semaphore, #tpu.memory_space<semaphore_mem>>)
      } else {
      }
    }
    %scan3A_231 = arith.constant 125 : i32
    %dma_wait3A_232 = arith.constant 1 : i32
    %dma_wait3A_233 = arith.constant 1 : i32
    %dma_wait3A_234 = arith.constant 1 : i32
    %dma_wait3A_235 = arith.constant 0 : i32
    %dma_wait3A_236 = arith.constant 0 : i32
    %dma_wait3A_237 = tpu.memref_slice %arg9[%dma_wait3A_232, %dma_wait3A_235, %dma_wait3A_236] : memref<4x80x128xf32, #tpu.memory_space<vmem>> -> memref<1x80x128xf32, #tpu.memory_space<vmem>>
    %dma_wait3A_238 = tpu.memref_squeeze %dma_wait3A_237 : memref<1x80x128xf32, #tpu.memory_space<vmem>> -> memref<80x128xf32, #tpu.memory_space<vmem>>
    %dma_wait3A_239 = arith.constant 0 : i32
    %dma_wait3A_240 = tpu.memref_slice %arg8[%dma_wait3A_233, %dma_wait3A_239] : memref<4x80xi32, #tpu.memory_space<vmem>> -> memref<1x80xi32, #tpu.memory_space<vmem>>
    %dma_wait3A_241 = tpu.memref_squeeze %dma_wait3A_240 : memref<1x80xi32, #tpu.memory_space<vmem>> -> memref<80xi32, #tpu.memory_space<vmem>>
    %dma_wait3A_242 = arith.constant 0 : i32
    %dma_wait3A_243 = arith.constant 0 : i32
    %dma_wait3A_244 = tpu.memref_slice %arg6[%dma_wait3A_242, %dma_wait3A_243] : memref<10112x128xf32, #tpu.memory_space<vmem_shared>> -> memref<10112x128xf32, #tpu.memory_space<vmem_shared>>
    %dma_wait3A_245 = tpu.memref_slice %arg11[%dma_wait3A_234] : memref<4x!tpu.dma_semaphore, #tpu.memory_space<semaphore_mem>> -> memref<1x!tpu.dma_semaphore, #tpu.memory_space<semaphore_mem>>
    %dma_wait3A_246 = tpu.memref_squeeze %dma_wait3A_245 : memref<1x!tpu.dma_semaphore, #tpu.memory_space<semaphore_mem>> -> memref<!tpu.dma_semaphore, #tpu.memory_space<semaphore_mem>>
    tpu.wait_indirect_dma semaphore(%dma_wait3A_246 : memref<!tpu.dma_semaphore, #tpu.memory_space<semaphore_mem>>) src(%dma_wait3A_238 : memref<80x128xf32, #tpu.memory_space<vmem>>) dst(%dma_wait3A_244 : memref<10112x128xf32, #tpu.memory_space<vmem_shared>>)
    %dma_wait3A_247 = arith.constant 2 : i32
    %dma_wait3A_248 = arith.constant 2 : i32
    %dma_wait3A_249 = arith.constant 2 : i32
    %dma_wait3A_250 = arith.constant 0 : i32
    %dma_wait3A_251 = arith.constant 0 : i32
    %dma_wait3A_252 = tpu.memref_slice %arg9[%dma_wait3A_247, %dma_wait3A_250, %dma_wait3A_251] : memref<4x80x128xf32, #tpu.memory_space<vmem>> -> memref<1x80x128xf32, #tpu.memory_space<vmem>>
    %dma_wait3A_253 = tpu.memref_squeeze %dma_wait3A_252 : memref<1x80x128xf32, #tpu.memory_space<vmem>> -> memref<80x128xf32, #tpu.memory_space<vmem>>
    %dma_wait3A_254 = arith.constant 0 : i32
    %dma_wait3A_255 = tpu.memref_slice %arg8[%dma_wait3A_248, %dma_wait3A_254] : memref<4x80xi32, #tpu.memory_space<vmem>> -> memref<1x80xi32, #tpu.memory_space<vmem>>
    %dma_wait3A_256 = tpu.memref_squeeze %dma_wait3A_255 : memref<1x80xi32, #tpu.memory_space<vmem>> -> memref<80xi32, #tpu.memory_space<vmem>>
    %dma_wait3A_257 = arith.constant 0 : i32
    %dma_wait3A_258 = arith.constant 0 : i32
    %dma_wait3A_259 = tpu.memref_slice %arg6[%dma_wait3A_257, %dma_wait3A_258] : memref<10112x128xf32, #tpu.memory_space<vmem_shared>> -> memref<10112x128xf32, #tpu.memory_space<vmem_shared>>
    %dma_wait3A_260 = tpu.memref_slice %arg11[%dma_wait3A_249] : memref<4x!tpu.dma_semaphore, #tpu.memory_space<semaphore_mem>> -> memref<1x!tpu.dma_semaphore, #tpu.memory_space<semaphore_mem>>
    %dma_wait3A_261 = tpu.memref_squeeze %dma_wait3A_260 : memref<1x!tpu.dma_semaphore, #tpu.memory_space<semaphore_mem>> -> memref<!tpu.dma_semaphore, #tpu.memory_space<semaphore_mem>>
    tpu.wait_indirect_dma semaphore(%dma_wait3A_261 : memref<!tpu.dma_semaphore, #tpu.memory_space<semaphore_mem>>) src(%dma_wait3A_253 : memref<80x128xf32, #tpu.memory_space<vmem>>) dst(%dma_wait3A_259 : memref<10112x128xf32, #tpu.memory_space<vmem_shared>>)
    %dma_wait3A_262 = arith.constant 3 : i32
    %dma_wait3A_263 = arith.constant 3 : i32
    %dma_wait3A_264 = arith.constant 3 : i32
    %dma_wait3A_265 = arith.constant 0 : i32
    %dma_wait3A_266 = arith.constant 0 : i32
    %dma_wait3A_267 = tpu.memref_slice %arg9[%dma_wait3A_262, %dma_wait3A_265, %dma_wait3A_266] : memref<4x80x128xf32, #tpu.memory_space<vmem>> -> memref<1x80x128xf32, #tpu.memory_space<vmem>>
    %dma_wait3A_268 = tpu.memref_squeeze %dma_wait3A_267 : memref<1x80x128xf32, #tpu.memory_space<vmem>> -> memref<80x128xf32, #tpu.memory_space<vmem>>
    %dma_wait3A_269 = arith.constant 0 : i32
    %dma_wait3A_270 = tpu.memref_slice %arg8[%dma_wait3A_263, %dma_wait3A_269] : memref<4x80xi32, #tpu.memory_space<vmem>> -> memref<1x80xi32, #tpu.memory_space<vmem>>
    %dma_wait3A_271 = tpu.memref_squeeze %dma_wait3A_270 : memref<1x80xi32, #tpu.memory_space<vmem>> -> memref<80xi32, #tpu.memory_space<vmem>>
    %dma_wait3A_272 = arith.constant 0 : i32
    %dma_wait3A_273 = arith.constant 0 : i32
    %dma_wait3A_274 = tpu.memref_slice %arg6[%dma_wait3A_272, %dma_wait3A_273] : memref<10112x128xf32, #tpu.memory_space<vmem_shared>> -> memref<10112x128xf32, #tpu.memory_space<vmem_shared>>
    %dma_wait3A_275 = tpu.memref_slice %arg11[%dma_wait3A_264] : memref<4x!tpu.dma_semaphore, #tpu.memory_space<semaphore_mem>> -> memref<1x!tpu.dma_semaphore, #tpu.memory_space<semaphore_mem>>
    %dma_wait3A_276 = tpu.memref_squeeze %dma_wait3A_275 : memref<1x!tpu.dma_semaphore, #tpu.memory_space<semaphore_mem>> -> memref<!tpu.dma_semaphore, #tpu.memory_space<semaphore_mem>>
    tpu.wait_indirect_dma semaphore(%dma_wait3A_276 : memref<!tpu.dma_semaphore, #tpu.memory_space<semaphore_mem>>) src(%dma_wait3A_268 : memref<80x128xf32, #tpu.memory_space<vmem>>) dst(%dma_wait3A_274 : memref<10112x128xf32, #tpu.memory_space<vmem_shared>>)
    %dma_wait3A_277 = arith.constant 0 : i32
    %dma_wait3A_278 = arith.constant 0 : i32
    %dma_wait3A_279 = arith.constant 0 : i32
    %dma_wait3A_280 = arith.constant 0 : i32
    %dma_wait3A_281 = arith.constant 0 : i32
    %dma_wait3A_282 = tpu.memref_slice %arg9[%dma_wait3A_277, %dma_wait3A_280, %dma_wait3A_281] : memref<4x80x128xf32, #tpu.memory_space<vmem>> -> memref<1x80x128xf32, #tpu.memory_space<vmem>>
    %dma_wait3A_283 = tpu.memref_squeeze %dma_wait3A_282 : memref<1x80x128xf32, #tpu.memory_space<vmem>> -> memref<80x128xf32, #tpu.memory_space<vmem>>
    %dma_wait3A_284 = arith.constant 0 : i32
    %dma_wait3A_285 = tpu.memref_slice %arg8[%dma_wait3A_278, %dma_wait3A_284] : memref<4x80xi32, #tpu.memory_space<vmem>> -> memref<1x80xi32, #tpu.memory_space<vmem>>
    %dma_wait3A_286 = tpu.memref_squeeze %dma_wait3A_285 : memref<1x80xi32, #tpu.memory_space<vmem>> -> memref<80xi32, #tpu.memory_space<vmem>>
    %dma_wait3A_287 = arith.constant 0 : i32
    %dma_wait3A_288 = arith.constant 0 : i32
    %dma_wait3A_289 = tpu.memref_slice %arg6[%dma_wait3A_287, %dma_wait3A_288] : memref<10112x128xf32, #tpu.memory_space<vmem_shared>> -> memref<10112x128xf32, #tpu.memory_space<vmem_shared>>
    %dma_wait3A_290 = tpu.memref_slice %arg11[%dma_wait3A_279] : memref<4x!tpu.dma_semaphore, #tpu.memory_space<semaphore_mem>> -> memref<1x!tpu.dma_semaphore, #tpu.memory_space<semaphore_mem>>
    %dma_wait3A_291 = tpu.memref_squeeze %dma_wait3A_290 : memref<1x!tpu.dma_semaphore, #tpu.memory_space<semaphore_mem>> -> memref<!tpu.dma_semaphore, #tpu.memory_space<semaphore_mem>>
    tpu.wait_indirect_dma semaphore(%dma_wait3A_291 : memref<!tpu.dma_semaphore, #tpu.memory_space<semaphore_mem>>) src(%dma_wait3A_283 : memref<80x128xf32, #tpu.memory_space<vmem>>) dst(%dma_wait3A_289 : memref<10112x128xf32, #tpu.memory_space<vmem_shared>>)
    %barrier3A_292 = arith.constant 0 : index
    tpu.barrier barrier_id(%barrier3A_292)
    %mul3A_293 = arith.constant 632 : i32
    %mul3A_294 = arith.muli %arg1, %mul3A_293 : i32
    %mul3A_295 = arith.constant 632 : i32
    %mul3A_296 = arith.muli %arg1, %mul3A_295 : i32
    "tpu.region"() ({
      %run_scoped3A_297 = tpu.sem_alloc : memref<!tpu.dma_semaphore, #tpu.memory_space<semaphore_mem>>
      %dma_start3A_298 = arith.constant 0 : i32
      %dma_start3A_299 = tpu.memref_slice %arg5[%arg0, %mul3A_296, %dma_start3A_298] : memref<2x10112x128xf32, #tpu.memory_space<hbm>> -> memref<1x632x128xf32, #tpu.memory_space<hbm>>
      %dma_start3A_300 = tpu.memref_squeeze %dma_start3A_299 : memref<1x632x128xf32, #tpu.memory_space<hbm>> -> memref<632x128xf32, #tpu.memory_space<hbm>>
      %dma_start3A_301 = arith.constant 0 : i32
      %dma_start3A_302 = tpu.memref_slice %arg6[%mul3A_294, %dma_start3A_301] : memref<10112x128xf32, #tpu.memory_space<vmem_shared>> -> memref<632x128xf32, #tpu.memory_space<vmem_shared>>
      tpu.enqueue_dma source(%dma_start3A_302 : memref<632x128xf32, #tpu.memory_space<vmem_shared>>) target(%dma_start3A_300 : memref<632x128xf32, #tpu.memory_space<hbm>>) target_semaphore(%run_scoped3A_297 : memref<!tpu.dma_semaphore, #tpu.memory_space<semaphore_mem>>)
      %dma_wait3A_303 = arith.constant 0 : i32
      %dma_wait3A_304 = tpu.memref_slice %arg5[%arg0, %mul3A_296, %dma_wait3A_303] : memref<2x10112x128xf32, #tpu.memory_space<hbm>> -> memref<1x632x128xf32, #tpu.memory_space<hbm>>
      %dma_wait3A_305 = tpu.memref_squeeze %dma_wait3A_304 : memref<1x632x128xf32, #tpu.memory_space<hbm>> -> memref<632x128xf32, #tpu.memory_space<hbm>>
      %dma_wait3A_306 = arith.constant 0 : i32
      %dma_wait3A_307 = tpu.memref_slice %arg6[%mul3A_294, %dma_wait3A_306] : memref<10112x128xf32, #tpu.memory_space<vmem_shared>> -> memref<632x128xf32, #tpu.memory_space<vmem_shared>>
      tpu.wait_dma2 semaphore(%run_scoped3A_297 : memref<!tpu.dma_semaphore, #tpu.memory_space<semaphore_mem>>) src(%dma_wait3A_307 : memref<632x128xf32, #tpu.memory_space<vmem_shared>>) dst(%dma_wait3A_305 : memref<632x128xf32, #tpu.memory_space<hbm>>)
      tpu.yield
    }) : () -> ()
    return
  }
}

module attributes {stable_mosaic.version = 14 : i64} {
  func.func @mlp_body(%arg0: i32, %arg1: memref<1000x128xf32, #tpu.memory_space<vmem>>, %arg2: memref<2x1000x128xf32, #tpu.memory_space<vmem>>, %arg3: memref<128x128xf32, #tpu.memory_space<vmem>>, %arg4: memref<1x128xf32, #tpu.memory_space<vmem>>, %arg5: memref<128x128xf32, #tpu.memory_space<vmem>>, %arg6: memref<1x128xf32, #tpu.memory_space<vmem>>, %arg7: memref<1000x128xf32, #tpu.memory_space<vmem>>) attributes {dimension_semantics = [#tpu.dimension_semantics<arbitrary>], iteration_bounds = array<i64: 10>, scalar_prefetch = 0 : i64, scratch_operands = 0 : i64, tpu.core_type = #tpu.core_type<tc>, window_params = [{transform_indices = @transform_0, window_bounds = array<i64: 1000, 128>}, {transform_indices = @transform_1, window_bounds = array<i64: 2, 1000, 128>}, {pipeline_mode = #tpu.pipeline_mode<synchronous>, transform_indices = @transform_2, window_bounds = array<i64: 128, 128>}, {pipeline_mode = #tpu.pipeline_mode<synchronous>, transform_indices = @transform_3, window_bounds = array<i64: 1, 128>}, {pipeline_mode = #tpu.pipeline_mode<synchronous>, transform_indices = @transform_4, window_bounds = array<i64: 128, 128>}, {pipeline_mode = #tpu.pipeline_mode<synchronous>, transform_indices = @transform_5, window_bounds = array<i64: 1, 128>}, {transform_indices = @transform_6, window_bounds = array<i64: 1000, 128>}]} {
    %get3A = arith.constant 0 : index
    %get3A_0 = arith.constant 0 : index
    %get3A_1 = vector.load %arg1[%get3A, %get3A_0] : memref<1000x128xf32, #tpu.memory_space<vmem>>, vector<1000x128xf32>
    %get3A_2 = arith.constant 0 : index
    %get3A_3 = arith.constant 0 : index
    %get3A_4 = arith.constant 0 : index
    %get3A_5 = vector.load %arg2[%get3A_2, %get3A_3, %get3A_4] : memref<2x1000x128xf32, #tpu.memory_space<vmem>>, vector<1x1000x128xf32>
    %get3A_6 = vector.shape_cast %get3A_5 : vector<1x1000x128xf32> to vector<1000x128xf32>
    %add3A = arith.addf %get3A_1, %get3A_6 : vector<1000x128xf32>
    %get3A_7 = arith.constant 1 : index
    %get3A_8 = arith.constant 0 : index
    %get3A_9 = arith.constant 0 : index
    %get3A_10 = vector.load %arg2[%get3A_7, %get3A_8, %get3A_9] : memref<2x1000x128xf32, #tpu.memory_space<vmem>>, vector<1x1000x128xf32>
    %get3A_11 = vector.shape_cast %get3A_10 : vector<1x1000x128xf32> to vector<1000x128xf32>
    %add3A_12 = arith.addf %add3A, %get3A_11 : vector<1000x128xf32>
    %get3A_13 = arith.constant 0 : index
    %get3A_14 = arith.constant 0 : index
    %get3A_15 = vector.load %arg3[%get3A_13, %get3A_14] : memref<128x128xf32, #tpu.memory_space<vmem>>, vector<128x128xf32>
    %dot_general3A = arith.constant dense<0.000000e+00> : vector<1000x128xf32>
    %dot_general3A_16 = tpu.matmul %add3A_12, %get3A_15, %dot_general3A {dimension_numbers = #tpu.dot_dimension_numbers<[1], [0], [0], [1], [0, 0, 1, 1], [], []>, transpose_lhs_hint = false} : vector<1000x128xf32>, vector<128x128xf32>, vector<1000x128xf32> -> vector<1000x128xf32>
    %get3A_17 = arith.constant 0 : index
    %get3A_18 = arith.constant 0 : index
    %get3A_19 = vector.load %arg4[%get3A_17, %get3A_18] : memref<1x128xf32, #tpu.memory_space<vmem>>, vector<1x128xf32>
    %add3A_20 = vector.broadcast %get3A_19 : vector<1x128xf32> to vector<1000x128xf32>
    %add3A_21 = arith.addf %dot_general3A_16, %add3A_20 : vector<1000x128xf32>
    %max3A = arith.constant 0.000000e+00 : f32
    %max3A_22 = vector.broadcast %max3A : f32 to vector<1000x128xf32>
    %max3A_23 = arith.maximumf %add3A_21, %max3A_22 : vector<1000x128xf32>
    %get3A_24 = arith.constant 0 : index
    %get3A_25 = arith.constant 0 : index
    %get3A_26 = vector.load %arg5[%get3A_24, %get3A_25] : memref<128x128xf32, #tpu.memory_space<vmem>>, vector<128x128xf32>
    %dot_general3A_27 = arith.constant dense<0.000000e+00> : vector<1000x128xf32>
    %dot_general3A_28 = tpu.matmul %max3A_23, %get3A_26, %dot_general3A_27 {dimension_numbers = #tpu.dot_dimension_numbers<[1], [0], [0], [1], [0, 0, 1, 1], [], []>, transpose_lhs_hint = false} : vector<1000x128xf32>, vector<128x128xf32>, vector<1000x128xf32> -> vector<1000x128xf32>
    %get3A_29 = arith.constant 0 : index
    %get3A_30 = arith.constant 0 : index
    %get3A_31 = vector.load %arg6[%get3A_29, %get3A_30] : memref<1x128xf32, #tpu.memory_space<vmem>>, vector<1x128xf32>
    %add3A_32 = vector.broadcast %get3A_31 : vector<1x128xf32> to vector<1000x128xf32>
    %add3A_33 = arith.addf %dot_general3A_28, %add3A_32 : vector<1000x128xf32>
    %max3A_34 = arith.constant 0.000000e+00 : f32
    %max3A_35 = vector.broadcast %max3A_34 : f32 to vector<1000x128xf32>
    %max3A_36 = arith.maximumf %add3A_33, %max3A_35 : vector<1000x128xf32>
    %swap3A = arith.constant 0 : index
    %swap3A_37 = arith.constant 0 : index
    %swap3A_38 = vector.load %arg7[%swap3A, %swap3A_37] : memref<1000x128xf32, #tpu.memory_space<vmem>>, vector<1000x128xf32>
    tpu.vector_store %arg7[%swap3A, %swap3A_37], %max3A_36 {strides = array<i32>} : memref<1000x128xf32, #tpu.memory_space<vmem>>, vector<1000x128xf32>,
    return
  }
  func.func @transform_0(%arg0: i32) -> (i32, i32) {
    %c0_i32 = arith.constant 0 : i32
    %c0_i32_0 = arith.constant 0 : i32
    return %arg0, %c0_i32 : i32, i32
  }
  func.func @transform_1(%arg0: i32) -> (i32, i32, i32) {
    %c0_i32 = arith.constant 0 : i32
    %c0_i32_0 = arith.constant 0 : i32
    %c0_i32_1 = arith.constant 0 : i32
    return %c0_i32, %arg0, %c0_i32_0 : i32, i32, i32
  }
  func.func @transform_2(%arg0: i32) -> (i32, i32) {
    %c0_i32 = arith.constant 0 : i32
    %c0_i32_0 = arith.constant 0 : i32
    %c0_i32_1 = arith.constant 0 : i32
    return %c0_i32, %c0_i32_0 : i32, i32
  }
  func.func @transform_3(%arg0: i32) -> (i32, i32) {
    %c0_i32 = arith.constant 0 : i32
    %c0_i32_0 = arith.constant 0 : i32
    %c0_i32_1 = arith.constant 0 : i32
    return %c0_i32, %c0_i32_0 : i32, i32
  }
  func.func @transform_4(%arg0: i32) -> (i32, i32) {
    %c0_i32 = arith.constant 0 : i32
    %c0_i32_0 = arith.constant 0 : i32
    %c0_i32_1 = arith.constant 0 : i32
    return %c0_i32, %c0_i32_0 : i32, i32
  }
  func.func @transform_5(%arg0: i32) -> (i32, i32) {
    %c0_i32 = arith.constant 0 : i32
    %c0_i32_0 = arith.constant 0 : i32
    %c0_i32_1 = arith.constant 0 : i32
    return %c0_i32, %c0_i32_0 : i32, i32
  }
  func.func @transform_6(%arg0: i32) -> (i32, i32) {
    %c0_i32 = arith.constant 0 : i32
    %c0_i32_0 = arith.constant 0 : i32
    return %arg0, %c0_i32 : i32, i32
  }
}

</mosaic_0001>

<sc_bundles>
// kernel: kernel.4.cloned.1.call-start
scs
__scs_entry_jumppad:
0x0: {  	(pc) =	sbr.rel $0x88, $3  }
0x1: {  	(tag) =	ssettag $0x0;
	lr =	simm.s32 $0x1  }
0x2: {  	[smem:$0x3F9B] =	sst lr;
	_ =	strace $0xD0000000  }
0x3: {  	_ = 	snop  }
0x4: {  	_ = 	snop  }
0x5: {  	_ = 	snop  }
0x6: {  	_ = 	snop  }
0x7: {  	_ = 	snop  }
__scs_overlays_trampoline_lowered:
0x8: {  	[smem:$0x3FAA] =	sst s0  }
0x9: {  	[smem:$0x3FAB] =	sst s1  }
0xa: {  	[smem:$0x3FAC] =	sst s2  }
0xb: {  	[smem:$0x3FAD] =	sst s3  }
0xc: {  	[smem:$0x3FAE] =	sst s4  }
0xd: {  	[smem:$0x3FAF] =	sst s5  }
0xe: {  	[smem:$0x3FB0] =	sst s6  }
0xf: {  	[smem:$0x3FB1] =	sst s7  }
0x10: {  	[smem:$0x3FB2] =	sst s8  }
0x11: {  	[smem:$0x3FB3] =	sst s9;
	s0 =	simm.s32 @!p0 $0x0  }
0x12: {  	s1 =	sld [smem:$0x3F99];
	s0 =	simm.s32 @p0 $0x1  }
0x13: {  	[smem:$0x3FB4] =	sst s0;
	s0 =	simm.s32 @!p1 $0x0  }
0x14: {  	s2 =	sld [smem:$0x3F98];
	s0 =	simm.s32 @p1 $0x1  }
0x15: {  	[smem:$0x3FB5] =	sst s0;
	s0 =	simm.s32 @!p2 $0x0  }
0x16: {  	s3 =	sld [smem:$0x3FDB];
	s0 =	simm.s32 @p2 $0x1  }
0x17: {  	s4 =	simm.s32 $0x1BF5;
	[smem:$0x3FB7] =	sst s0  }
0x18: {  	s0 =	sld [smem:$0x3F9A];
	_ =	swait.ge [sflag:s4], $0x0  }
0x19: {  	s7 =	sld [smem:$0x3F9B]  }
0x1a: {  	s8 =	sadd.s32 $0xFFFFE003, lr  }
0x1b: {  	s9 =	sadd.s32 $0xFFFFFEF7, lr;
	s5 =	simm.s32 $0xFFFFFFFF;
	p2 =	slt.u32 s8, $0xFFFFF086  }
0x1c: {  	p1 =	slt.u32 s9, $0xF7A;
	s5 =	simm.s32 @!p2 $0x0  }
0x1d: {  	s5 =	simm.s32 @p1 $0x1;
	p0 =	seq.s32 s7, s2  }
0x1e: {  	s7 =	smul.u32 @!p0 $0xF7A, s2;
	p2 =	seq.s32 @!p0 s5, $0x0  }
0x1f: {  	s9 =	smul.u32 $0xF7A, s1;
	s8 =	simm.s32 @!p0 $0x1BF5;
	p2 =	por !p2, p0  }
0x20: {  	[sflag:s8] =	ssyncset.s32 @!p0 $0xFFFFF086;
	s6 =	sadd.s32 @!p0 s3, s7;
	s7 =	simm.s32 @!p0 $0x108  }
0x21: {  	s3 =	sadd.s32 s3, s9;
	s6 =	sadd.s32 @!p0 $0x88, s6;
	s7 =	simm.s32 @p2 $0x1082  }
0x22: {  	[simem:s7], [sflag:s8] =	dma.local @!p0 [hbm:s6], $0xF7A  }
0x23: {  	s9 =	sor.u32 $0xD0000000, s2;
	s6 =	simm.s32 $0x108;
	_ =	swait.ge @!p0 [sflag:s8], $0x0  }
0x24: {  	s3 =	sadd.s32 $0x88, s3;
	s6 =	simm.s32 @!p1 $0x1082;
	[sflag:s4] =	ssyncset.s32 $0xFFFFF086  }
0x25: {  	[simem:s6], [sflag:s4] =	dma.local [hbm:s3], $0xF7A  }
0x26: {  	[smem:$0x3F9B] =	sst s1;
	(tag) =	ssettag s2;
	_ =	strace s9  }
0x27: {  	s1 =	sld [smem:$0x3FAB]  }
0x28: {  	s2 =	sld [smem:$0x3FAC]  }
0x29: {  	s4 =	sld [smem:$0x3FAE]  }
0x2a: {  	p0 =	seq.s32 s5, $0x0;
	s5 =	sld [smem:$0x3FAF]  }
0x2b: {  	s6 =	sld [smem:$0x3FB0]  }
0x2c: {  	s7 =	sld [smem:$0x3FB1]  }
0x2d: {  	s3 =	simm.s32 $0x108;
	s8 =	sld [smem:$0x3FB2]  }
0x2e: {  	s3 =	simm.s32 @!p0 $0x1082;
	s9 =	sld [smem:$0x3FB3]  }
0x2f: {  	lr =	sadd.s32 s0, s3;
	s0 =	sld [smem:$0x3FAA]  }
0x30: {  	s3 =	sld [smem:$0x3FAD]  }
0x31: {  	[smem:$0x3FB6] =	sst s10  }
0x32: {  	s10 =	sld [smem:$0x3FB4];
	_ =	sdelay $0x3  }
0x33: {  	p0 =	seq.s32 s10, $0x1;
	s10 =	sld [smem:$0x3FB6];
	_ =	sdelay $0x3  }
0x34: {  	[smem:$0x3FB6] =	sst s10  }
0x35: {  	s10 =	sld [smem:$0x3FB5];
	_ =	sdelay $0x3  }
0x36: {  	p1 =	seq.s32 s10, $0x1;
	s10 =	sld [smem:$0x3FB6];
	_ =	sdelay $0x3  }
0x37: {  	[smem:$0x3FB6] =	sst s10  }
0x38: {  	s10 =	sld [smem:$0x3FB7]  }
0x39: {  	_ = 	snop;
	(pc) =	sbr.ind lr, $3  }
0x3a: {  	_ = 	snop  }
0x3b: {  	_ = 	snop  }
0x3c: {  	p2 =	seq.s32 s10, $0x1;
	s10 =	sld [smem:$0x3FB6]  }
0x3d: {  	_ =	shalt  }
0x3e: {  	_ =	shalt  }
0x3f: {  	_ =	shalt  }
0x40: {  	_ =	shalt  }
0x41: {  	_ =	shalt  }
0x42: {  	_ =	shalt  }
0x43: {  	_ =	shalt  }
0x44: {  	_ =	shalt  }
0x45: {  	_ =	shalt  }
0x46: {  	_ =	shalt  }
0x47: {  	_ =	shalt  }
0x48: {  	_ =	shalt  }
0x49: {  	_ =	shalt  }
0x4a: {  	_ =	shalt  }
0x4b: {  	_ =	shalt  }
0x4c: {  	_ =	shalt  }
0x4d: {  	_ =	shalt  }
0x4e: {  	_ =	shalt  }
0x4f: {  	_ =	shalt  }
0x50: {  	_ =	shalt  }
0x51: {  	_ =	shalt  }
0x52: {  	_ =	shalt  }
0x53: {  	_ =	shalt  }
0x54: {  	_ =	shalt  }
0x55: {  	_ =	shalt  }
0x56: {  	_ =	shalt  }
0x57: {  	_ =	shalt  }
0x58: {  	_ =	shalt  }
0x59: {  	_ =	shalt  }
0x5a: {  	_ =	shalt  }
0x5b: {  	_ =	shalt  }
0x5c: {  	_ =	shalt  }
0x5d: {  	_ =	shalt  }
0x5e: {  	_ =	shalt  }
0x5f: {  	_ =	shalt  }
0x60: {  	_ =	shalt  }
0x61: {  	_ =	shalt  }
0x62: {  	_ =	shalt  }
0x63: {  	_ =	shalt  }
0x64: {  	_ =	shalt  }
0x65: {  	_ =	shalt  }
0x66: {  	_ =	shalt  }
0x67: {  	_ =	shalt  }
0x68: {  	_ =	shalt  }
0x69: {  	_ =	shalt  }
0x6a: {  	_ =	shalt  }
0x6b: {  	_ =	shalt  }
0x6c: {  	_ =	shalt  }
0x6d: {  	_ =	shalt  }
0x6e: {  	_ =	shalt  }
0x6f: {  	_ =	shalt  }
0x70: {  	_ =	shalt  }
0x71: {  	_ =	shalt  }
0x72: {  	_ =	shalt  }
0x73: {  	_ =	shalt  }
0x74: {  	_ =	shalt  }
0x75: {  	_ =	shalt  }
0x76: {  	_ =	shalt  }
0x77: {  	_ =	shalt  }
0x78: {  	_ =	shalt  }
0x79: {  	_ =	shalt  }
0x7a: {  	_ =	shalt  }
0x7b: {  	_ =	shalt  }
0x7c: {  	_ =	shalt  }
0x7d: {  	_ =	shalt  }
0x7e: {  	_ =	shalt  }
0x7f: {  	_ =	shalt  }
0x80: {  	_ =	shalt  }
0x81: {  	_ =	shalt  }
0x82: {  	_ =	shalt  }
0x83: {  	_ =	shalt  }
0x84: {  	_ =	shalt  }
0x85: {  	_ =	shalt  }
0x86: {  	_ =	shalt  }
0x87: {  	_ =	shalt  }
.Lfunc_end0:
.L_simem_size_0:
called_computation_lowered:
.L_overlay_start_0:
0x88: {  	s2 =	sld [smem:$0x3FD9]  }
0x89: {  	s3 =	sld [smem:$0x3FFE];
	_ =	sdelay $0x1  }
0x8a: {  	s1 =	srdreg.scid  }
0x8b: {  	s0 =	sand.u32 $0x1, s1  }
0x8c: {  	s17 =	sshll.u32 s0, $0xA;
	s2 =	sadd.s32 s3, s2  }
0x8d: {  	s2 =	sadd.s32 s2, s17  }
0x8e: {  	[smem:$0x3FC2] =	sst s2  }
0x8f: {  	_ = 	snop  }
0x90: {  	s2 =	sld [smem:$0x3FC9]  }
0x91: {  	s18 =	sld [smem:$0x3FD0];
	(tm) =	ssettm $0x1  }
0x92: {  	s4 =	sld [smem:$0x3FFB];
	_ =	sdelay $0x3  }
0x93: {  	_ =	strace s4  }
0x94: {  	s4 =	sld [smem:$0x3FFC];
	_ =	sdelay $0x3  }
0x95: {  	_ =	strace s4  }
0x96: {  	s4 =	sld [smem:$0x3FFD];
	_ =	sdelay $0x3  }
0x97: {  	_ =	strace s4  }
0x98: {  	_ =	strace $0x8FFFFFFF  }
0x99: {  	s19 =	sld [smem:$0x3FDB];
	_ =	sdelay $0x1  }
0x9a: {  	s5 =	simm.s32 $_scs_section_size  }
0x9b: {  	s6 =	simm.s32 $_size__tile_overlayer_lowered;
	s7 =	simm.s32 $_tile_overlayer_lowered  }
0x9c: {  	s22 =	simm.s32 $0x1BFF;
	s21 =	sshll.u32 s7, $0x1;
	s4 =	sadd.s32 s5, s19  }
0x9d: {  	s8 =	simm.s32 $0x0;
	s20 =	sshll.u32 s6, $0x1;
	s6 =	sadd.s32 s21, s4  }
0x9e: {  	[timem:s8], [sflag:s22] =	dma.local [hbm:s6], s20  }
0x9f: {  	_ =	swait.ge [sflag:s22], s20  }
0xa0: {  	s5 =	ssub.s32 $0x0, s20;
	[sflag:s22] =	ssyncset.done $0x0  }
0xa1: {  	[sflag:s22] =	ssyncadd.s32 s5;
	_ =	sdelay $0x1  }
0xa2: {  	s23 =	simm.s32 $0x1B8B  }
0xa3: {  	_ =	swait.ge [sflag:s23], $0x1  }
0xa4: {  	[sflag:s23] =	ssyncset.done $0x0  }
0xa5: {  	s25 =	simm.s32 $0x1B8E;
	s24 =	sld [smem:$0x3FFE];
	[sflag:s23] =	ssyncadd.s32 $0xFFFFFFFF  }
0xa6: {  	s26 =	simm.s32 $execute0_lowered;
	[smem:$0x3FD2] =	sst s25  }
0xa7: {  	s6 =	sshll.u32 s26, $0x1;
	_ =	strace $0x80000046;
	[dreg:$0x1] =	wrdreg $0xFFFFFFFF  }
0xa8: {  	s28 =	simm.s32 $_size_execute0_lowered;
	s4 =	sadd.s32 s4, s6;
	[dreg:$0x0] =	wrdreg $0x0  }
0xa9: {  	s6 =	sshll.u32 s28, $0x1;
	[dreg:$0x2] =	wrdreg s4  }
0xaa: {  	[dreg:$0x3] =	wrdreg s6  }
0xab: {  	[dreg:$0x4] =	wrdreg $0xC0  }
0xac: {  	_ =	task [dreg:s8], $0x5FFFF  }
0xad: {  	[dreg:$0x1] =	wrdreg $0xFFFFFFFF  }
0xae: {  	[dreg:$0x0] =	wrdreg $0x60  }
0xaf: {  	[dreg:$0x2] =	wrdreg s2  }
0xb0: {  	[dreg:$0x3] =	wrdreg s24  }
0xb1: {  	[dreg:$0x4] =	wrdreg s18  }
0xb2: {  	[dreg:$0x5] =	wrdreg $0x0  }
0xb3: {  	[dreg:$0x6] =	wrdreg $0x9  }
0xb4: {  	_ =	task.clear_ibuf [dreg:s8], $0x7FFFF;
	_ =	strace $0x90000046  }
0xb5: {  	s29 =	simm.s32 $0x9;
	_ =	strace $0x80000048  }
0xb6: {  	_ =	swait.ge [sflag:s29], $0x1  }
0xb7: {  	[sflag:s29] =	ssyncadd.s32 $0xFFFFFFFF  }
0xb8: {  	_ =	strace $0x90000048  }
0xb9: {  	_ =	sfence  }
0xba: {  	s30 =	sld [smem:$0x0];
	_ =	sdelay $0x2  }
0xbb: {  	s31 =	sshll.u32 s1, $0xD;
	s1 =	sshrl.u32 s1, $0x2  }
0xbc: {  	s3 =	sand.u32 $0x4000, s31;
	s1 =	sadd.s32 s1, s30  }
0xbd: {  	s0 =	sor.u32 s3, s0;
	s1 =	sshll.u32 s1, $0x11  }
0xbe: {  	s0 =	sor.u32 s1, s0  }
0xbf: {  	s0 =	sadd.s32 $0x8F2B, s0  }
0xc0: {  	[sflag:s0] =	ssyncadd.remote.s32 $0x1  }
0xc1: {  	_ =	sfence.sel $0xFFFF  }
0xc2: {  	[dreg:$0x0] =	wrdreg $0xFFFFFFFF;
	(pc) =	sbr.abs _section_cstart, $3  }
0xc3: {  	[dreg:$0x1] =	wrdreg $0xFFFFFFFF  }
0xc4: {  	_ =	task.clear_ibuf [dreg:s8], $0x2FFFF;
	_ =	strace $0x9FFFFFFF  }
0xc5: {  	(tm) =	ssettm $0x7FFFFFFF  }
tec
execute0_lowered:
.L_overlay_start_1:
0x0: {  	(tag) =	ssettag $0x1  }
0x1: {  	s0 =	rddreg [dreg:$0x0]  }
0x2: {  	s1 =	rddreg [dreg:$0x1]  }
0x3: {  	s2 =	rddreg [dreg:$0x2]  }
0x4: {  	s4 =	srdreg.scid;
	s3 =	rddreg [dreg:$0x3]  }
0x5: {  	s12 =	stileid.u32;
	s28 =	simm.s32 $0x13C80;
	s30 =	simm.s32 $0x13D00  }
0x6: {  	s29 =	simm.s32 $0x9;
	s31 =	simm.s32 $0x50;
	s7 =	smul.u32 $0x13C00, s12  }
0x7: {  	s5 =	sand.u32 $0x1, s4;
	s4 =	simm.s32 $0x0;
	s23 =	smul.u32 $0x4F000, s12  }
0x8: {  	s8 =	sshll.u32 s12, $0x1;
	s9 =	sadd.s32 $0xE00, s1;
	s6 =	smul.u32 $0x13C000, s5  }
0x9: {  	s16 =	smul.u32 $0x4E20, s12;
	s12 =	simm.s32 $0x5;
	s20 =	sor.u32 s5, s8  }
0xa: {  	[smem:$0x7FF] =	sst s4;
	s6 =	sadd.s32 s7, s6;
	s7 =	smul.u32 $0x2710, s20  }
0xb: {  	s21 =	ssub.s32 $0x2, s5;
	s5 =	smul.u32 $0x2710, s5;
	_ =	strace $0x80000047  }
0xc: {  	s22 =	sshrl.u32 s21, $0x1;
	s8 =	sshrl.u32 s23, $0x2;
	s7 =	sshrl.u32 s7, $0x3  }
0xd: {  	s23 =	sadd.s32 s5, s16;
	s6 =	sshrl.u32 s6, $0x3;
	s10 =	sadd.s32 s9, s7  }
0xe: {  	s1 =	sadd.s32 s6, s1;
	s24 =	sadd.s32 s2, s7;
	[dreg:$0x5] =	wrdreg s10  }
0xf: {  	s25 =	sadd.s32 $0xA, s7;
	s1 =	sadd.s32 $0xAC00, s1;
	[dreg:$0x6] =	wrdreg s24  }
0x10: {  	s5 =	simm.s32 $0xA;
	s11 =	sadd.s32 s9, s25;
	[dreg:$0x12] =	wrdreg s1  }
0x11: {  	s26 =	sadd.s32 $0x14, s7;
	s10 =	sadd.s32 s2, s25;
	[dreg:$0x7] =	wrdreg s11  }
0x12: {  	s6 =	ssub.s32 s21, s22;
	s13 =	sadd.s32 s9, s26;
	[dreg:$0x8] =	wrdreg s10  }
0x13: {  	s14 =	sadd.s32 s2, s26;
	s24 =	smax.u32 s6, $0x1;
	[dreg:$0x9] =	wrdreg s13  }
0x14: {  	s25 =	sadd.s32 $0x1E, s7;
	s1 =	sadd.s32 $0x140, s23;
	[dreg:$0xa] =	wrdreg s14  }
0x15: {  	s10 =	sadd.s32 s8, s3;
	[dreg:$0x13] =	wrdreg s24;
	s26 =	sadd.s32 s9, s25  }
0x16: {  	s6 =	simm.s32 $0x1;
	s15 =	sadd.s32 $0x2800, s10;
	[dreg:$0x14] =	wrdreg s26  }
0x17: {  	s7 =	simm.s32 $0xB;
	s17 =	sadd.s32 $0x5000, s10;
	[dreg:$0xb] =	wrdreg s15  }
0x18: {  	s1 =	sshrl.u32 s1, $0x3;
	s18 =	sadd.s32 $0x7800, s10;
	[dreg:$0xc] =	wrdreg s17  }
0x19: {  	s8 =	simm.s32 $0x6;
	s19 =	sadd.s32 $0xA000, s10;
	[dreg:$0xd] =	wrdreg s18  }
0x1a: {  	s11 =	simm.s32 $0x8;
	s20 =	sadd.s32 $0xC800, s10;
	[dreg:$0xe] =	wrdreg s19  }
.Ltmp0:
0x1b: {  	s21 =	sadd.s32 $0xF000, s10;
	[dreg:$0xf] =	wrdreg s20;
	(pc) =	sbr.rel .LBB2_1-.Ltmp0, $4  }
0x1c: {  	s13 =	simm.s32 $0x0;
	s22 =	sadd.s32 $0x11800, s10;
	[dreg:$0x10] =	wrdreg s21  }
0x1d: {  	s16 =	sadd.s32 s1, s2;
	s26 =	simm.s32 $0x13E00;
	[dreg:$0x11] =	wrdreg s22  }
0x1e: {  	s22 =	sadd.s32 s2, s25;
	s15 =	sadd.s32 s1, s9;
	s25 =	simm.s32 $0x13C00  }
0x1f: {  	v0 =	vimm.f32 $0.0e+00;
	s1 =	simm.s32 $0x14000;
	s2 =	simm.s32 $0xD;
	s9 =	simm.s32 $0x7  }
.LBB2_9:
0x20: {  	_ =	swait.ge [sflag:s8], $0x2800  }
0x21: {  	[sflag:s8] =	ssyncset.done $0x0  }
0x22: {  	[sflag:s8] =	ssyncadd.s32 $0xFFFFD800  }
0x23: {  	_ =	swait.ge [sflag:s9], $0x2800  }
0x24: {  	[sflag:s9] =	ssyncset.done $0x0  }
0x25: {  	[sflag:s9] =	ssyncadd.s32 $0xFFFFD800  }
0x26: {  	_ =	swait.ge [sflag:s11], $0x2800  }
0x27: {  	[sflag:s11] =	ssyncset.done $0x0  }
0x28: {  	[sflag:s11] =	ssyncadd.s32 $0xFFFFD800  }
0x29: {  	_ =	swait.ge [sflag:s12], $0x2800  }
0x2a: {  	[sflag:s12] =	ssyncset.done $0x0  }
0x2b: {  	s14 =	stileid.u32;
	[sflag:s12] =	ssyncadd.s32 $0xFFFFD800  }
0x2c: {  	s14 =	sshll.u32 s14, $0x6;
	[bflag:$0x0] =	sbarrier.arrive $0xFFFF  }
0x2d: {  	s17 =	sshrl.u32 s10, $0x3;
	s14 =	sor.u32 $0x1C0D, s14;
	s18 =	rddreg [dreg:$0x12]  }
0x2e: {  	[hbm:s18], [sflag:s14] =	dma.local [spmem:s17], $0x2780  }
0x2f: {  	_ =	swait.ge [sflag:s2], $0x2780  }
0x30: {  	s13 =	sadd.s32 $0x1, s13;
	s24 =	rddreg [dreg:$0x13]  }
0x31: {  	p0 =	sne.s32 s13, s24  }
.Ltmp1:
0x32: {  	_ = 	snop;
	(pc) =	sbr.rel @!p0 .LBB2_10-.Ltmp1, $3  }
0x33: {  	_ =	sdelay $0x1  }
0x34: {  	[sflag:s2] =	ssyncset.done $0x0  }
0x35: {  	[sflag:s2] =	ssyncadd.s32 $0xFFFFD880  }
.LBB2_1:
0x36: {  	s14 =	rddreg [dreg:$0x5]  }
0x37: {  	s18 =	rddreg [dreg:$0x6]  }
0x38: {  	[tilespmem:s25], [sflag:$0x9] =	stream.linear.gather [hbm4b:s14+s4], $0x50, $0x38;
	[tilespmem:$0x1E000] =	vst v63  }
0x39: {  	s19 =	rddreg [dreg:$0x7]  }
0x3a: {  	[tilespmem:s26], [sflag:$0x9] =	stream.linear.gather [hbm4b:s18+s4], $0x50, $0x38;
	[tilespmem:$0x1E000] =	vst v63  }
0x3b: {  	s20 =	rddreg [dreg:$0x8]  }
0x3c: {  	[tilespmem:s28], [sflag:$0xA] =	stream.linear.gather [hbm4b:s19+s4], $0x50, $0x38;
	[tilespmem:$0x1E000] =	vst v63  }
0x3d: {  	s17 =	simm.s32 $0x13E80;
	s21 =	rddreg [dreg:$0x9]  }
0x3e: {  	[tilespmem:s17], [sflag:$0xA] =	stream.linear.gather [hbm4b:s20+s4], $0x50, $0x38;
	[tilespmem:$0x1E000] =	vst v63  }
0x3f: {  	s23 =	rddreg [dreg:$0xa]  }
0x40: {  	[tilespmem:s30], [sflag:$0xB] =	stream.linear.gather [hbm4b:s21+s4], $0x50, $0x38;
	[tilespmem:$0x1E000] =	vst v63  }
0x41: {  	s24 =	simm.s32 $0x13F00;
	s14 =	simm.s32 $0x0;
	s17 =	simm.s32 $0x200  }
0x42: {  	[tilespmem:s24], [sflag:$0xB] =	stream.linear.gather [hbm4b:s23+s4], $0x50, $0x38;
	[tilespmem:$0x1E000] =	vst v63  }
.LBB2_2:
0x43: {  	p0 =	sne.s32 s17, $0x9E00;
	[tilespmem:s14+$0x14070] =	vst v0  }
0x44: {  	[tilespmem:s14+$0x14000] =	vst v0  }
0x45: {  	[tilespmem:s14+$0x14010] =	vst v0  }
.Ltmp2:
0x46: {  	[tilespmem:s14+$0x14020] =	vst v0;
	(pc) =	sbr.rel @p0 .LBB2_2-.Ltmp2, $4  }
0x47: {  	[tilespmem:s14+$0x14030] =	vst v0  }
0x48: {  	[tilespmem:s14+$0x14040] =	vst v0  }
0x49: {  	[tilespmem:s14+$0x14050] =	vst v0  }
0x4a: {  	[tilespmem:s14+$0x14060] =	vst v0;
	s14 =	sshra.s32 s17, $0x2;
	s17 =	sadd.s32 $0x200, s17  }
0x4b: {  	[tilespmem:s14+$0x14070] =	vst v0  }
0x4c: {  	[tilespmem:s14+$0x14000] =	vst v0  }
0x4d: {  	[tilespmem:s14+$0x14010] =	vst v0  }
0x4e: {  	[tilespmem:s14+$0x14020] =	vst v0  }
0x4f: {  	[tilespmem:s14+$0x14030] =	vst v0  }
0x50: {  	[tilespmem:s14+$0x14040] =	vst v0  }
0x51: {  	[tilespmem:s14+$0x14050] =	vst v0  }
0x52: {  	[tilespmem:s14+$0x14060] =	vst v0  }
0x53: {  	[spmem:s10] =	stream.linear.scatter [tilespmem:s1], [sflag:$0xD], $0x2800, $0x38;
	[tilespmem:$0x1E000] =	vst v63  }
0x54: {  	_ =	swait.ge [sflag:s2], $0x2800  }
0x55: {  	[sflag:s2] =	ssyncset.done $0x0  }
0x56: {  	s20 =	rddreg [dreg:$0xb];
	[sflag:s2] =	ssyncadd.s32 $0xFFFFD800  }
0x57: {  	[spmem:s20] =	stream.linear.scatter [tilespmem:s1], [sflag:$0xD], $0x2800, $0x38;
	[tilespmem:$0x1E000] =	vst v63  }
0x58: {  	_ =	swait.ge [sflag:s2], $0x2800  }
0x59: {  	[sflag:s2] =	ssyncset.done $0x0  }
0x5a: {  	s21 =	rddreg [dreg:$0xc];
	[sflag:s2] =	ssyncadd.s32 $0xFFFFD800  }
0x5b: {  	[spmem:s21] =	stream.linear.scatter [tilespmem:s1], [sflag:$0xD], $0x2800, $0x38;
	[tilespmem:$0x1E000] =	vst v63  }
0x5c: {  	_ =	swait.ge [sflag:s2], $0x2800  }
0x5d: {  	[sflag:s2] =	ssyncset.done $0x0  }
0x5e: {  	s23 =	rddreg [dreg:$0xd];
	[sflag:s2] =	ssyncadd.s32 $0xFFFFD800  }
0x5f: {  	[spmem:s23] =	stream.linear.scatter [tilespmem:s1], [sflag:$0xD], $0x2800, $0x38;
	[tilespmem:$0x1E000] =	vst v63  }
0x60: {  	_ =	swait.ge [sflag:s2], $0x2800  }
0x61: {  	[sflag:s2] =	ssyncset.done $0x0  }
0x62: {  	s24 =	rddreg [dreg:$0xe];
	[sflag:s2] =	ssyncadd.s32 $0xFFFFD800  }
0x63: {  	[spmem:s24] =	stream.linear.scatter [tilespmem:s1], [sflag:$0xD], $0x2800, $0x38;
	[tilespmem:$0x1E000] =	vst v63  }
0x64: {  	_ =	swait.ge [sflag:s2], $0x2800  }
0x65: {  	[sflag:s2] =	ssyncset.done $0x0  }
0x66: {  	s17 =	rddreg [dreg:$0xf];
	[sflag:s2] =	ssyncadd.s32 $0xFFFFD800  }
0x67: {  	[spmem:s17] =	stream.linear.scatter [tilespmem:s1], [sflag:$0xD], $0x2800, $0x38;
	[tilespmem:$0x1E000] =	vst v63  }
0x68: {  	_ =	swait.ge [sflag:s2], $0x2800  }
0x69: {  	[sflag:s2] =	ssyncset.done $0x0  }
0x6a: {  	s18 =	rddreg [dreg:$0x10];
	[sflag:s2] =	ssyncadd.s32 $0xFFFFD800  }
0x6b: {  	[spmem:s18] =	stream.linear.scatter [tilespmem:s1], [sflag:$0xD], $0x2800, $0x38;
	[tilespmem:$0x1E000] =	vst v63  }
0x6c: {  	_ =	swait.ge [sflag:s2], $0x2800  }
0x6d: {  	[sflag:s2] =	ssyncset.done $0x0  }
0x6e: {  	s19 =	rddreg [dreg:$0x11];
	[sflag:s2] =	ssyncadd.s32 $0xFFFFD800  }
0x6f: {  	[spmem:s19] =	stream.linear.scatter [tilespmem:s1], [sflag:$0xD], $0x2400, $0x38;
	[tilespmem:$0x1E000] =	vst v63  }
0x70: {  	_ =	swait.ge [sflag:s2], $0x2400  }
0x71: {  	[sflag:s2] =	ssyncset.done $0x0  }
0x72: {  	[sflag:s2] =	ssyncadd.s32 $0xFFFFDC00  }
0x73: {  	[bflag:$0x0] =	sbarrier.arrive $0xFFFF  }
0x74: {  	_ =	swait.ge [sflag:s29], $0x50  }
0x75: {  	[sflag:s29] =	ssyncset.done $0x0  }
0x76: {  	[sflag:s29] =	ssyncadd.s32 $0xFFFFFFB0  }
0x77: {  	_ =	swait.ge [sflag:s29], $0x50  }
0x78: {  	[sflag:s29] =	ssyncset.done $0x0  }
0x79: {  	[sflag:s29] =	ssyncadd.s32 $0xFFFFFFB0  }
0x7a: {  	[tilespmem:s1], [sflag:$0x1] =	stream.indirect.gather [hbm4b:s0+s31], $0x80, s25, s31, $0xb8;
	[tilespmem:$0x1E000] =	vst v63  }
0x7b: {  	_ =	swait.ge [sflag:s5], $0x50  }
0x7c: {  	[sflag:s5] =	ssyncset.done $0x0  }
0x7d: {  	[sflag:s5] =	ssyncadd.s32 $0xFFFFFFB0  }
0x7e: {  	_ =	swait.ge [sflag:s5], $0x50  }
0x7f: {  	[sflag:s5] =	ssyncset.done $0x0  }
0x80: {  	s20 =	simm.s32 $0x16800;
	[sflag:s5] =	ssyncadd.s32 $0xFFFFFFB0  }
0x81: {  	[tilespmem:s20], [sflag:$0x2] =	stream.indirect.gather [hbm4b:s0+s31], $0x80, s28, s31, $0xb8;
	[tilespmem:$0x1E000] =	vst v63  }
0x82: {  	_ =	swait.ge [sflag:s6], $0x2800  }
0x83: {  	[sflag:s6] =	ssyncset.done $0x0  }
0x84: {  	[sflag:s6] =	ssyncadd.s32 $0xFFFFD800  }
0x85: {  	[spmem:s3] =	stream.indirect.scatter.add.f32 [tilespmem:s1], [sflag:$0x5], $0x80, s26, s31, $0xb8;
	[tilespmem:$0x1E000] =	vst v63  }
0x86: {  	s17 =	simm.s32 $0x13D80;
	s21 =	rddreg [dreg:$0x14]  }
0x87: {  	[tilespmem:s17], [sflag:$0xC] =	stream.linear.gather [hbm4b:s21+s4], $0x50, $0x38;
	[tilespmem:$0x1E000] =	vst v63  }
0x88: {  	s23 =	simm.s32 $0x13F80  }
0x89: {  	[tilespmem:s23], [sflag:$0xC] =	stream.linear.gather [hbm4b:s22+s4], $0x50, $0x38;
	[tilespmem:$0x1E000] =	vst v63  }
0x8a: {  	_ =	swait.ge [sflag:s7], $0x50  }
0x8b: {  	[sflag:s7] =	ssyncset.done $0x0  }
0x8c: {  	[sflag:s7] =	ssyncadd.s32 $0xFFFFFFB0  }
.Ltmp3:
0x8d: {  	_ =	swait.ge [sflag:s7], $0x50;
	(pc) =	sbr.rel .LBB2_4-.Ltmp3, $4  }
0x8e: {  	[sflag:s7] =	ssyncset.done $0x0  }
0x8f: {  	s24 =	simm.s32 $0x19000;
	[sflag:s7] =	ssyncadd.s32 $0xFFFFFFB0  }
0x90: {  	[tilespmem:s24], [sflag:$0x3] =	stream.indirect.gather [hbm4b:s0+s31], $0x80, s30, s31, $0xb8;
	[tilespmem:$0x1E000] =	vst v63  }
0x91: {  	s14 =	simm.s32 $0x4;
	s23 =	smov.u32 s16;
	s24 =	smov.u32 s15  }
.LBB2_5:
0x92: {  	s18 =	sand.u32 $0x3, s14  }
0x93: {  	s19 =	sadd.s32 $0x5, s18  }
0x94: {  	_ =	swait.ge [sflag:s19], $0x2800  }
0x95: {  	s20 =	sshll.u32 s18, $0x7;
	[sflag:s19] =	ssyncset.done $0x0  }
0x96: {  	s18 =	sadd.s32 $0x9, s18;
	s21 =	sor.u32 $0x13C00, s20;
	[sflag:s19] =	ssyncadd.s32 $0xFFFFD800  }
0x97: {  	[tilespmem:s21], [sflag:s18] =	stream.linear.gather [hbm4b:s24+s4], $0x50, $0x38;
	[tilespmem:$0x1E000] =	vst v63  }
0x98: {  	s21 =	sor.u32 $0x13E00, s20  }
0x99: {  	[tilespmem:s21], [sflag:s18] =	stream.linear.gather [hbm4b:s23+s4], $0x50, $0x38;
	[tilespmem:$0x1E000] =	vst v63  }
.LBB2_7:
0x9a: {  	s17 =	sxor.u32 $0x2, s17  }
0x9b: {  	s18 =	sadd.s32 $0x9, s17  }
0x9c: {  	_ =	swait.ge [sflag:s18], $0x50  }
0x9d: {  	[sflag:s18] =	ssyncset.done $0x0  }
0x9e: {  	s19 =	smul.u32 $0xA000, s17;
	[sflag:s18] =	ssyncadd.s32 $0xFFFFFFB0  }
0x9f: {  	s20 =	sshll.u32 s17, $0x7;
	_ =	swait.ge [sflag:s18], $0x50  }
0xa0: {  	s17 =	sadd.s32 $0x1, s17;
	s19 =	sshrl.u32 s19, $0x2;
	[sflag:s18] =	ssyncset.done $0x0  }
0xa1: {  	s20 =	sor.u32 $0x13C00, s20;
	s21 =	sadd.s32 $0x14000, s19;
	[sflag:s18] =	ssyncadd.s32 $0xFFFFFFB0  }
0xa2: {  	[tilespmem:s21], [sflag:s17] =	stream.indirect.gather [hbm4b:s0+s31], $0x80, s20, s31, $0xb8;
	[tilespmem:$0x1E000] =	vst v63  }
.LBB2_8:
0xa3: {  	s14 =	sadd.s32 $0x1, s14  }
0xa4: {  	p0 =	sne.s32 s14, $0x80  }
.Ltmp4:
0xa5: {  	_ = 	snop;
	(pc) =	sbr.rel @!p0 .LBB2_9-.Ltmp4, $2  }
0xa6: {  	_ =	sdelay $0x2  }
0xa7: {  	s23 =	sadd.s32 $0xA, s23;
	s24 =	sadd.s32 $0xA, s24  }
.LBB2_4:
0xa8: {  	s18 =	sadd.s32 $0xFFFFFFFD, s14  }
0xa9: {  	s17 =	sand.u32 $0x3, s18  }
0xaa: {  	p0 =	sgt.u32 s18, $0x79;
	s19 =	smul.u32 $0xA000, s17  }
.Ltmp5:
0xab: {  	s20 =	sadd.s32 $0x1, s17;
	(pc) =	sbr.rel @!p0 .LBB2_5-.Ltmp5, $4  }
0xac: {  	_ =	swait.ge [sflag:s20], $0x2800;
	s19 =	sshrl.u32 s19, $0x2  }
0xad: {  	s21 =	sshll.u32 s17, $0x7;
	[sflag:s20] =	ssyncset.done $0x0;
	s19 =	sadd.s32 $0x14000, s19  }
0xae: {  	[sflag:s20] =	ssyncadd.s32 $0xFFFFD800;
	s20 =	sor.u32 $0x13E00, s21;
	s21 =	sadd.s32 $0x5, s17  }
0xaf: {  	[spmem:s3] =	stream.indirect.scatter.add.f32 [tilespmem:s19], [sflag:s21], $0x80, s20, s31, $0xb8;
	[tilespmem:$0x1E000] =	vst v63  }
0xb0: {  	p0 =	sne.s32 s14, $0x7D  }
.Ltmp6:
0xb1: {  	_ = 	snop;
	(pc) =	sbr.rel @p0 .LBB2_8-.Ltmp6, $4  }
.Ltmp7:
0xb2: {  	_ = 	snop;
	(pc) =	sbr.rel @!p0 .LBB2_7-.Ltmp7, $4  }
0xb3: {  	_ = 	snop  }
0xb4: {  	_ = 	snop  }
0xb5: {  	_ = 	snop  }
0xb6: {  	_ = 	snop  }
.LBB2_10:
0xb7: {  	_ =	sfence.sel $0x180000  }
0xb8: {  	[bflag:$0x0] =	sbarrier.arrive $0xFFFF  }
0xb9: {  	_ =	strace $0x90000047  }
0xba: {  	s0 =	stileid.u32;
	[bflag:$0x2] =	sbarrier.arrive $0xFFFF  }
0xbb: {  	p0 =	sne.s32 s0, $0x0;
	s0 =	rddreg [dreg:$0x4]  }
0xbc: {  	s0 =	sadd.s32 @!p0 $0x100000, s0  }
0xbd: {  	[sflag:s0] =	ssyncadd.tile.s32 @!p0 $0x1;
	_ =	shalt  }
.Lfunc_end2:
_tile_overlayer_lowered:
.L_overlay_start_2:
0xbe: {  	(tag) =	ssettag $0x2  }
0xbf: {  	s0 =	rddreg [dreg:$0x0];
	s2 =	stileid.u32  }
0xc0: {  	s1 =	rddreg [dreg:$0x1];
	p0 =	sne.s32 s2, $0x0  }
0xc1: {  	s3 =	rddreg [dreg:$0x2];
	[bflag:$0x3] =	sbarrier.arrive $0xFFFF;
	s2 =	simm.s32 @!p0 $0x1C0D  }
0xc2: {  	[timem:s3], [sflag:s2] =	dma.local @!p0 [hbm:s0], s1  }
0xc3: {  	s0 =	simm.s32 @!p0 $0xD  }
0xc4: {  	_ =	swait.ge @!p0 [sflag:s0], s1  }
0xc5: {  	s1 =	ssub.s32 @!p0 $0x0, s1;
	[sflag:s0] =	ssyncset.done @!p0 $0x0  }
0xc6: {  	[sflag:s0] =	ssyncadd.s32 @!p0 s1  }
0xc7: {  	[bflag:$0x3] =	sbarrier.arrive $0xFFFF  }
0xc8: {  	_ =	shalt  }

</sc_bundles>
